<compile_context>
chip_gen: v7x
topology: tpu7x:2x2x1
jax: 0.10.2.dev20260603
libtpu: 0.0.44.dev20260713+nightly
codegen_flags: <defaults>
</compile_context>

<pallas_src>
import jax
import jax.numpy as jnp
import numpy as np
from jax import lax
from jax.experimental import pallas as pl
from jax.experimental.pallas import tpu as pltpu
from jax.experimental.pallas import tpu_sc as plsc

BATCH_NUM = 1024
WIN_SIZE = 50
EMBED_DIM = 64
N = 102400

NC = 2
NS = 16
L = 16
PASSES = 2

Q_B = BATCH_NUM // (NC * PASSES)
Q_S = Q_B * WIN_SIZE
TRASH = Q_S
ACC_ROWS = 14336
ZROWS_PER_SUB = ACC_ROWS // NS
PER_SUB = N // NS
CHUNK = 128
NCHUNK = PER_SUB // CHUNK
B_PER_SUB = Q_B // NS
OUT_ROW = WIN_SIZE * EMBED_DIM


def _body(ids_hbm, bat_hbm, win_hbm, table_hbm, scat_hbm, out_hbm,
          ids2d, bat2d, win2d, lseg2d, rows_a, rows_b, ones_v,
          scat_v, buf2d, tbuf, cbuf, invbuf,
          acc_s, cnt_s, sem_a, sem_b):
  c = lax.axis_index("c")
  s = lax.axis_index("s")

  zf = jnp.zeros((L,), jnp.float32)

  def zrow(i, _):
    def zcol(k, _):
      rows_a[i, pl.ds(k * L, L)] = zf
      return 0
    return lax.fori_loop(0, EMBED_DIM // L, zcol, 0)
  lax.fori_loop(0, CHUNK, zrow, 0)

  def zone(k, _):
    ones_v[pl.ds(k * L, L)] = zf
    return 0
  lax.fori_loop(0, CHUNK // L, zone, 0)

  pltpu.sync_copy(ids_hbm.at[s], ids2d)
  pltpu.sync_copy(bat_hbm.at[s], bat2d)
  pltpu.sync_copy(win_hbm.at[s], win2d)
  pltpu.sync_copy(scat_hbm, scat_v)

  zbase = s * ZROWS_PER_SUB

  for p in range(PASSES):
    q_base = (c * PASSES + p) * Q_S

    def zcp(i, _):
      pltpu.sync_copy(rows_a, acc_s.at[pl.ds(zbase + i * CHUNK, CHUNK)])
      pltpu.sync_copy(ones_v, cnt_s.at[pl.ds(zbase + i * CHUNK, CHUNK)])
      return 0
    lax.fori_loop(0, ZROWS_PER_SUB // CHUNK, zcp, 0)

    def lseg_outer(j, _):
      def lseg_inner(i, _):
        b16 = bat2d[j, pl.ds(i * L, L)]
        w16 = win2d[j, pl.ds(i * L, L)]
        seg = b16 * WIN_SIZE + w16 - q_base
        inb = (seg >= 0) & (seg < Q_S)
        lseg2d[j, pl.ds(i * L, L)] = jnp.where(inb, seg, TRASH)
        return 0
      return lax.fori_loop(0, CHUNK // L, lseg_inner, 0)
    lax.fori_loop(0, NCHUNK, lseg_outer, 0)

    of = jnp.ones((L,), jnp.float32)

    def fone(k, _):
      ones_v[pl.ds(k * L, L)] = of
      return 0
    lax.fori_loop(0, CHUNK // L, fone, 0)

    plsc.subcore_barrier()

    pltpu.async_copy(table_hbm.at[ids2d.at[0]], rows_a, sem_a)

    def pp(jj, _):
      j0 = 2 * jj
      pltpu.async_copy(table_hbm.at[ids2d.at[j0 + 1]], rows_b, sem_b)
      pltpu.make_async_copy(table_hbm.at[ids2d.at[0]], rows_a, sem_a).wait()
      pltpu.sync_copy(rows_a, acc_s.at[lseg2d.at[j0]], add=True)
      pltpu.sync_copy(ones_v, cnt_s.at[lseg2d.at[j0]], add=True)
      jn = jnp.minimum(j0 + 2, NCHUNK - 1)
      pltpu.async_copy(table_hbm.at[ids2d.at[jn]], rows_a, sem_a)
      pltpu.make_async_copy(table_hbm.at[ids2d.at[0]], rows_b, sem_b).wait()
      pltpu.sync_copy(rows_b, acc_s.at[lseg2d.at[j0 + 1]], add=True)
      pltpu.sync_copy(ones_v, cnt_s.at[lseg2d.at[j0 + 1]], add=True)
      return 0
    lax.fori_loop(0, NCHUNK // 2, pp, 0)
    pltpu.make_async_copy(table_hbm.at[ids2d.at[0]], rows_a, sem_a).wait()

    plsc.subcore_barrier()

    def wout(i, _):
      lb = s * B_PER_SUB + i
      t0 = lb * WIN_SIZE
      base8 = pl.multiple_of(t0 - (t0 & 7), 8)
      off = t0 - base8
      pltpu.sync_copy(acc_s.at[pl.ds(t0, WIN_SIZE)], buf2d)
      pltpu.sync_copy(cnt_s.at[pl.ds(base8, CHUNK)], cbuf)

      def inv_k(k, _):
        cc = cbuf[pl.ds(k * L, L)]
        invbuf[pl.ds(k * L, L)] = jnp.where(cc > 0, 1.0 / cc, 0.0)
        return 0
      lax.fori_loop(0, CHUNK // L, inv_k, 0)

      def tr_w(w, _):
        wsplat = scat_v[pl.ds(0, L)] * 0 + (w + off)
        iv = plsc.load_gather(invbuf, [wsplat])

        def tr_k(k, _):
          v16 = buf2d[w, pl.ds(k * L, L)]
          sidx = scat_v[pl.ds((w * (EMBED_DIM // L) + k) * L, L)]
          plsc.store_scatter(tbuf, [sidx], v16 * iv)
          return 0
        return lax.fori_loop(0, EMBED_DIM // L, tr_k, 0)
      lax.fori_loop(0, WIN_SIZE, tr_w, 0)

      b = (c * PASSES + p) * Q_B + lb
      pltpu.sync_copy(tbuf, out_hbm.at[b])
      return 0
    lax.fori_loop(0, B_PER_SUB, wout, 0)

    if p + 1 < PASSES:
      def rezero(k, _):
        ones_v[pl.ds(k * L, L)] = zf
        return 0
      lax.fori_loop(0, CHUNK // L, rezero, 0)

      def rezrow(i, _):
        def rezcol(k, _):
          rows_a[i, pl.ds(k * L, L)] = zf
          return 0
        return lax.fori_loop(0, EMBED_DIM // L, rezcol, 0)
      lax.fori_loop(0, CHUNK, rezrow, 0)

      plsc.subcore_barrier()


_sc_call = pl.kernel(
    _body,
    out_type=jax.ShapeDtypeStruct((BATCH_NUM, OUT_ROW), jnp.float32),
    mesh=plsc.VectorSubcoreMesh(core_axis_name="c", subcore_axis_name="s"),
    compiler_params=pltpu.CompilerParams(
        needs_layout_passes=False, use_tc_tiling_on_sc=False),
    scratch_types=[
        pltpu.VMEM((NCHUNK, CHUNK), jnp.int32),
        pltpu.VMEM((NCHUNK, CHUNK), jnp.int32),
        pltpu.VMEM((NCHUNK, CHUNK), jnp.int32),
        pltpu.VMEM((NCHUNK, CHUNK), jnp.int32),
        pltpu.VMEM((CHUNK, EMBED_DIM), jnp.float32),
        pltpu.VMEM((CHUNK, EMBED_DIM), jnp.float32),
        pltpu.VMEM((CHUNK,), jnp.float32),
        pltpu.VMEM((OUT_ROW,), jnp.int32),
        pltpu.VMEM((WIN_SIZE, EMBED_DIM), jnp.float32),
        pltpu.VMEM((OUT_ROW,), jnp.float32),
        pltpu.VMEM((CHUNK,), jnp.float32),
        pltpu.VMEM((CHUNK,), jnp.float32),
        pltpu.VMEM_SHARED((ACC_ROWS, EMBED_DIM), jnp.float32),
        pltpu.VMEM_SHARED((ACC_ROWS,), jnp.float32),
        pltpu.SemaphoreType.DMA,
        pltpu.SemaphoreType.DMA,
    ],
)

_w = np.arange(WIN_SIZE, dtype=np.int32)[:, None]
_d = np.arange(EMBED_DIM, dtype=np.int32)[None, :]
_SCAT = (_d * WIN_SIZE + _w).reshape(OUT_ROW)


@jax.jit
def kernel(input, batch_i, win_i, table):
  ids3 = input.reshape(NS, NCHUNK, CHUNK)
  bat3 = batch_i.reshape(NS, NCHUNK, CHUNK)
  win3 = win_i.reshape(NS, NCHUNK, CHUNK)
  out = _sc_call(ids3, bat3, win3, table, jnp.asarray(_SCAT))
  return out.reshape(BATCH_NUM, EMBED_DIM, WIN_SIZE)

# --- scband reference (transcript-rebuilt; emitter-appended) ---
"""Pipeline reference for scband-temporal-pooling-8323646620554 (READ-ONLY COPY).

The authoritative reference and input builder live on the scoring server;
editing this copy changes nothing except your own understanding.
"""

import jax, jax.numpy as jnp
import numpy as np

BATCH_NUM = 1024
WIN_SIZE = 50
VOCAB = 1000000
EMBED_DIM = 64
N = 102400


def setup_inputs(seed: int = 0) -> dict:
    key = jax.random.key(seed)
    k1, k2, k3, k4 = jax.random.split(key, 4)
    input_ids = jax.random.randint(k1, (N,), 0, VOCAB, dtype=jnp.int32)
    batch_i = jax.random.randint(k2, (N,), 0, BATCH_NUM, dtype=jnp.int32)
    win_i = jax.random.randint(k3, (N,), 0, WIN_SIZE, dtype=jnp.int32)
    table = jax.random.normal(k4, (VOCAB, EMBED_DIM), dtype=jnp.float32) * 0.02
    return {"input": input_ids, "batch_i": batch_i, "win_i": win_i, "table": table}


def reference(input, batch_i, win_i, table):
    # embeds_model: nn.Embedding lookup
    embeds = jnp.take(table, input, axis=0)  # [N, EMBED_DIM]
    # scatter-add accumulation into (batch, win) cells == segment mean
    seg = batch_i * WIN_SIZE + win_i  # [N]
    num_segments = BATCH_NUM * WIN_SIZE
    sums = jax.ops.segment_sum(embeds, seg, num_segments=num_segments)  # [B*W, D]
    counts = jax.ops.segment_sum(jnp.ones((embeds.shape[0],), dtype=embeds.dtype), seg, num_segments=num_segments)  # [B*W]
    counts_col = counts[:, None]
    out = jnp.where(counts_col > 0, sums / jnp.maximum(counts_col, 1.0), jnp.zeros_like(sums))
    out = out.reshape(BATCH_NUM, WIN_SIZE, EMBED_DIM)
    out = jnp.transpose(out, (0, 2, 1))  # permute(0, 2, 1)
    return out

if __name__ == "__main__":
    import jax
    _d = setup_inputs()
    print(jax.jit(kernel)(*tuple(_d.values())))

</pallas_src>

<mosaic_0001>
#map = affine_map<(d0, d1) -> (0, 0, 0)>
#map1 = affine_map<(d0, d1) -> (0, 0)>
#map2 = affine_map<(d0, d1) -> (0)>
module attributes {stable_mosaic.version = 14 : i64} {
  func.func @_body(%arg0: i32, %arg1: i32, %arg2: memref<16x50x128xi32, #tpu.memory_space<hbm>>, %arg3: memref<16x50x128xi32, #tpu.memory_space<hbm>>, %arg4: memref<16x50x128xi32, #tpu.memory_space<hbm>>, %arg5: memref<1000000x64xf32, #tpu.memory_space<hbm>>, %arg6: memref<3200xi32, #tpu.memory_space<hbm>>, %arg7: memref<1024x3200xf32, #tpu.memory_space<hbm>>, %arg8: memref<50x128xi32, #tpu.memory_space<vmem>>, %arg9: memref<50x128xi32, #tpu.memory_space<vmem>>, %arg10: memref<50x128xi32, #tpu.memory_space<vmem>>, %arg11: memref<50x128xi32, #tpu.memory_space<vmem>>, %arg12: memref<128x64xf32, #tpu.memory_space<vmem>>, %arg13: memref<128x64xf32, #tpu.memory_space<vmem>>, %arg14: memref<128xf32, #tpu.memory_space<vmem>>, %arg15: memref<3200xi32, #tpu.memory_space<vmem>>, %arg16: memref<50x64xf32, #tpu.memory_space<vmem>>, %arg17: memref<3200xf32, #tpu.memory_space<vmem>>, %arg18: memref<128xf32, #tpu.memory_space<vmem>>, %arg19: memref<128xf32, #tpu.memory_space<vmem>>, %arg20: memref<14336x64xf32, #tpu.memory_space<vmem_shared>>, %arg21: memref<14336xf32, #tpu.memory_space<vmem_shared>>, %arg22: memref<!tpu.dma_semaphore, #tpu.memory_space<semaphore_mem>>, %arg23: memref<!tpu.dma_semaphore, #tpu.memory_space<semaphore_mem>>) attributes {dimension_semantics = [#tpu.dimension_semantics<core_parallel>, #tpu.dimension_semantics<subcore_parallel>], iteration_bounds = array<i64: 2, 16>, scalar_prefetch = 0 : i64, scratch_operands = 16 : i64, tpu.core_type = #tpu.core_type<sc_vector_subcore>, window_params = [{transform_indices = #map}, {transform_indices = #map}, {transform_indices = #map}, {transform_indices = #map1}, {transform_indices = #map2}, {transform_indices = #map1}]} {
    %broadcast_in_dim3A = arith.constant 0.000000e+00 : f32
    %broadcast_in_dim3A_0 = vector.broadcast %broadcast_in_dim3A : f32 to vector<16xf32>
    %scan3A = arith.constant 0 : i32
    %scan3A_1 = arith.constant 0 : i32
    %scan3A_2 = arith.constant 128 : i32
    %scan3A_3 = arith.addi %scan3A_1, %scan3A_2 : i32
    %scan3A_4 = arith.constant 1 : i32
    %scan3A_5 = scf.for %scan3A_144 = %scan3A_1 to %scan3A_3 step %scan3A_4 iter_args(%scan3A_145 = %scan3A) -> (i32)  : i32 {
      %scan3A_146 = arith.constant 0 : i32
      %scan3A_147 = arith.constant 0 : i32
      %scan3A_148 = arith.constant 4 : i32
      %scan3A_149 = arith.addi %scan3A_147, %scan3A_148 : i32
      %scan3A_150 = arith.constant 1 : i32
      %scan3A_151 = scf.for %scan3A_153 = %scan3A_147 to %scan3A_149 step %scan3A_150 iter_args(%scan3A_154 = %scan3A_146) -> (i32)  : i32 {
        %mul3A_155 = arith.constant 16 : i32
        %mul3A_156 = arith.muli %scan3A_153, %mul3A_155 : i32
        %swap3A = arith.index_cast %scan3A_144 : i32 to index
        %swap3A_157 = arith.index_cast %mul3A_156 : i32 to index
        %swap3A_158 = tpu.vector_load %arg12[%swap3A, %swap3A_157] {strides = array<i32>} : memref<128x64xf32, #tpu.memory_space<vmem>>, vector<16xf32>,
        tpu.vector_store %arg12[%swap3A, %swap3A_157], %broadcast_in_dim3A_0 {strides = array<i32>} : memref<128x64xf32, #tpu.memory_space<vmem>>, vector<16xf32>,
        %scan3A_159 = arith.constant 0 : i32
        scf.yield %scan3A_159 : i32
      }
      %scan3A_152 = arith.constant 4 : i32
      scf.yield %scan3A_151 : i32
    }
    %scan3A_6 = arith.constant 128 : i32
    %scan3A_7 = arith.constant 0 : i32
    %scan3A_8 = arith.constant 0 : i32
    %scan3A_9 = arith.constant 8 : i32
    %scan3A_10 = arith.addi %scan3A_8, %scan3A_9 : i32
    %scan3A_11 = arith.constant 1 : i32
    %scan3A_12 = scf.for %scan3A_144 = %scan3A_8 to %scan3A_10 step %scan3A_11 iter_args(%scan3A_145 = %scan3A_7) -> (i32)  : i32 {
      %mul3A_146 = arith.constant 16 : i32
      %mul3A_147 = arith.muli %scan3A_144, %mul3A_146 : i32
      %swap3A = arith.index_cast %mul3A_147 : i32 to index
      %swap3A_148 = tpu.vector_load %arg14[%swap3A] {strides = array<i32>} : memref<128xf32, #tpu.memory_space<vmem>>, vector<16xf32>,
      tpu.vector_store %arg14[%swap3A], %broadcast_in_dim3A_0 {strides = array<i32>} : memref<128xf32, #tpu.memory_space<vmem>>, vector<16xf32>,
      %scan3A_149 = arith.constant 0 : i32
      scf.yield %scan3A_149 : i32
    }
    %scan3A_13 = arith.constant 8 : i32
    "tpu.region"() ({
      %run_scoped3A = tpu.sem_alloc : memref<!tpu.dma_semaphore, #tpu.memory_space<semaphore_mem>>
      %dma_start3A_144 = arith.constant 0 : i32
      %dma_start3A_145 = arith.constant 0 : i32
      %dma_start3A_146 = tpu.memref_slice %arg2[%arg1, %dma_start3A_144, %dma_start3A_145] : memref<16x50x128xi32, #tpu.memory_space<hbm>> -> memref<1x50x128xi32, #tpu.memory_space<hbm>>
      %dma_start3A_147 = tpu.memref_squeeze %dma_start3A_146 : memref<1x50x128xi32, #tpu.memory_space<hbm>> -> memref<50x128xi32, #tpu.memory_space<hbm>>
      %dma_start3A_148 = arith.constant 0 : i32
      %dma_start3A_149 = arith.constant 0 : i32
      %dma_start3A_150 = tpu.memref_slice %arg2[%arg1, %dma_start3A_148, %dma_start3A_149] : memref<16x50x128xi32, #tpu.memory_space<hbm>> -> memref<1x50x128xi32, #tpu.memory_space<hbm>>
      %dma_start3A_151 = tpu.memref_squeeze %dma_start3A_150 : memref<1x50x128xi32, #tpu.memory_space<hbm>> -> memref<50x128xi32, #tpu.memory_space<hbm>>
      tpu.enqueue_dma source(%dma_start3A_151 : memref<50x128xi32, #tpu.memory_space<hbm>>) target(%arg8 : memref<50x128xi32, #tpu.memory_space<vmem>>) target_semaphore(%run_scoped3A : memref<!tpu.dma_semaphore, #tpu.memory_space<semaphore_mem>>)
      %dma_wait3A_152 = arith.constant 0 : i32
      %dma_wait3A_153 = arith.constant 0 : i32
      %dma_wait3A_154 = tpu.memref_slice %arg2[%arg1, %dma_wait3A_152, %dma_wait3A_153] : memref<16x50x128xi32, #tpu.memory_space<hbm>> -> memref<1x50x128xi32, #tpu.memory_space<hbm>>
      %dma_wait3A_155 = tpu.memref_squeeze %dma_wait3A_154 : memref<1x50x128xi32, #tpu.memory_space<hbm>> -> memref<50x128xi32, #tpu.memory_space<hbm>>
      %dma_wait3A_156 = arith.constant 0 : i32
      %dma_wait3A_157 = arith.constant 0 : i32
      %dma_wait3A_158 = tpu.memref_slice %arg2[%arg1, %dma_wait3A_156, %dma_wait3A_157] : memref<16x50x128xi32, #tpu.memory_space<hbm>> -> memref<1x50x128xi32, #tpu.memory_space<hbm>>
      %dma_wait3A_159 = tpu.memref_squeeze %dma_wait3A_158 : memref<1x50x128xi32, #tpu.memory_space<hbm>> -> memref<50x128xi32, #tpu.memory_space<hbm>>
      tpu.wait_dma2 semaphore(%run_scoped3A : memref<!tpu.dma_semaphore, #tpu.memory_space<semaphore_mem>>) src(%dma_wait3A_159 : memref<50x128xi32, #tpu.memory_space<hbm>>) dst(%arg8 : memref<50x128xi32, #tpu.memory_space<vmem>>)
      tpu.yield
    }) : () -> ()
    "tpu.region"() ({
      %run_scoped3A = tpu.sem_alloc : memref<!tpu.dma_semaphore, #tpu.memory_space<semaphore_mem>>
      %dma_start3A_144 = arith.constant 0 : i32
      %dma_start3A_145 = arith.constant 0 : i32
      %dma_start3A_146 = tpu.memref_slice %arg3[%arg1, %dma_start3A_144, %dma_start3A_145] : memref<16x50x128xi32, #tpu.memory_space<hbm>> -> memref<1x50x128xi32, #tpu.memory_space<hbm>>
      %dma_start3A_147 = tpu.memref_squeeze %dma_start3A_146 : memref<1x50x128xi32, #tpu.memory_space<hbm>> -> memref<50x128xi32, #tpu.memory_space<hbm>>
      %dma_start3A_148 = arith.constant 0 : i32
      %dma_start3A_149 = arith.constant 0 : i32
      %dma_start3A_150 = tpu.memref_slice %arg3[%arg1, %dma_start3A_148, %dma_start3A_149] : memref<16x50x128xi32, #tpu.memory_space<hbm>> -> memref<1x50x128xi32, #tpu.memory_space<hbm>>
      %dma_start3A_151 = tpu.memref_squeeze %dma_start3A_150 : memref<1x50x128xi32, #tpu.memory_space<hbm>> -> memref<50x128xi32, #tpu.memory_space<hbm>>
      tpu.enqueue_dma source(%dma_start3A_151 : memref<50x128xi32, #tpu.memory_space<hbm>>) target(%arg9 : memref<50x128xi32, #tpu.memory_space<vmem>>) target_semaphore(%run_scoped3A : memref<!tpu.dma_semaphore, #tpu.memory_space<semaphore_mem>>)
      %dma_wait3A_152 = arith.constant 0 : i32
      %dma_wait3A_153 = arith.constant 0 : i32
      %dma_wait3A_154 = tpu.memref_slice %arg3[%arg1, %dma_wait3A_152, %dma_wait3A_153] : memref<16x50x128xi32, #tpu.memory_space<hbm>> -> memref<1x50x128xi32, #tpu.memory_space<hbm>>
      %dma_wait3A_155 = tpu.memref_squeeze %dma_wait3A_154 : memref<1x50x128xi32, #tpu.memory_space<hbm>> -> memref<50x128xi32, #tpu.memory_space<hbm>>
      %dma_wait3A_156 = arith.constant 0 : i32
      %dma_wait3A_157 = arith.constant 0 : i32
      %dma_wait3A_158 = tpu.memref_slice %arg3[%arg1, %dma_wait3A_156, %dma_wait3A_157] : memref<16x50x128xi32, #tpu.memory_space<hbm>> -> memref<1x50x128xi32, #tpu.memory_space<hbm>>
      %dma_wait3A_159 = tpu.memref_squeeze %dma_wait3A_158 : memref<1x50x128xi32, #tpu.memory_space<hbm>> -> memref<50x128xi32, #tpu.memory_space<hbm>>
      tpu.wait_dma2 semaphore(%run_scoped3A : memref<!tpu.dma_semaphore, #tpu.memory_space<semaphore_mem>>) src(%dma_wait3A_159 : memref<50x128xi32, #tpu.memory_space<hbm>>) dst(%arg9 : memref<50x128xi32, #tpu.memory_space<vmem>>)
      tpu.yield
    }) : () -> ()
    "tpu.region"() ({
      %run_scoped3A = tpu.sem_alloc : memref<!tpu.dma_semaphore, #tpu.memory_space<semaphore_mem>>
      %dma_start3A_144 = arith.constant 0 : i32
      %dma_start3A_145 = arith.constant 0 : i32
      %dma_start3A_146 = tpu.memref_slice %arg4[%arg1, %dma_start3A_144, %dma_start3A_145] : memref<16x50x128xi32, #tpu.memory_space<hbm>> -> memref<1x50x128xi32, #tpu.memory_space<hbm>>
      %dma_start3A_147 = tpu.memref_squeeze %dma_start3A_146 : memref<1x50x128xi32, #tpu.memory_space<hbm>> -> memref<50x128xi32, #tpu.memory_space<hbm>>
      %dma_start3A_148 = arith.constant 0 : i32
      %dma_start3A_149 = arith.constant 0 : i32
      %dma_start3A_150 = tpu.memref_slice %arg4[%arg1, %dma_start3A_148, %dma_start3A_149] : memref<16x50x128xi32, #tpu.memory_space<hbm>> -> memref<1x50x128xi32, #tpu.memory_space<hbm>>
      %dma_start3A_151 = tpu.memref_squeeze %dma_start3A_150 : memref<1x50x128xi32, #tpu.memory_space<hbm>> -> memref<50x128xi32, #tpu.memory_space<hbm>>
      tpu.enqueue_dma source(%dma_start3A_151 : memref<50x128xi32, #tpu.memory_space<hbm>>) target(%arg10 : memref<50x128xi32, #tpu.memory_space<vmem>>) target_semaphore(%run_scoped3A : memref<!tpu.dma_semaphore, #tpu.memory_space<semaphore_mem>>)
      %dma_wait3A_152 = arith.constant 0 : i32
      %dma_wait3A_153 = arith.constant 0 : i32
      %dma_wait3A_154 = tpu.memref_slice %arg4[%arg1, %dma_wait3A_152, %dma_wait3A_153] : memref<16x50x128xi32, #tpu.memory_space<hbm>> -> memref<1x50x128xi32, #tpu.memory_space<hbm>>
      %dma_wait3A_155 = tpu.memref_squeeze %dma_wait3A_154 : memref<1x50x128xi32, #tpu.memory_space<hbm>> -> memref<50x128xi32, #tpu.memory_space<hbm>>
      %dma_wait3A_156 = arith.constant 0 : i32
      %dma_wait3A_157 = arith.constant 0 : i32
      %dma_wait3A_158 = tpu.memref_slice %arg4[%arg1, %dma_wait3A_156, %dma_wait3A_157] : memref<16x50x128xi32, #tpu.memory_space<hbm>> -> memref<1x50x128xi32, #tpu.memory_space<hbm>>
      %dma_wait3A_159 = tpu.memref_squeeze %dma_wait3A_158 : memref<1x50x128xi32, #tpu.memory_space<hbm>> -> memref<50x128xi32, #tpu.memory_space<hbm>>
      tpu.wait_dma2 semaphore(%run_scoped3A : memref<!tpu.dma_semaphore, #tpu.memory_space<semaphore_mem>>) src(%dma_wait3A_159 : memref<50x128xi32, #tpu.memory_space<hbm>>) dst(%arg10 : memref<50x128xi32, #tpu.memory_space<vmem>>)
      tpu.yield
    }) : () -> ()
    "tpu.region"() ({
      %run_scoped3A = tpu.sem_alloc : memref<!tpu.dma_semaphore, #tpu.memory_space<semaphore_mem>>
      tpu.enqueue_dma source(%arg6 : memref<3200xi32, #tpu.memory_space<hbm>>) target(%arg15 : memref<3200xi32, #tpu.memory_space<vmem>>) target_semaphore(%run_scoped3A : memref<!tpu.dma_semaphore, #tpu.memory_space<semaphore_mem>>)
      tpu.wait_dma2 semaphore(%run_scoped3A : memref<!tpu.dma_semaphore, #tpu.memory_space<semaphore_mem>>) src(%arg6 : memref<3200xi32, #tpu.memory_space<hbm>>) dst(%arg15 : memref<3200xi32, #tpu.memory_space<vmem>>)
      tpu.yield
    }) : () -> ()
    %mul3A = arith.constant 896 : i32
    %mul3A_14 = arith.muli %arg1, %mul3A : i32
    %mul3A_15 = arith.constant 2 : i32
    %mul3A_16 = arith.muli %arg0, %mul3A_15 : i32
    %add3A = arith.constant 0 : i32
    %add3A_17 = arith.addi %mul3A_16, %add3A : i32
    %mul3A_18 = arith.constant 12800 : i32
    %mul3A_19 = arith.muli %add3A_17, %mul3A_18 : i32
    %scan3A_20 = arith.constant 0 : i32
    %scan3A_21 = arith.constant 0 : i32
    %scan3A_22 = arith.constant 7 : i32
    %scan3A_23 = arith.addi %scan3A_21, %scan3A_22 : i32
    %scan3A_24 = arith.constant 1 : i32
    %scan3A_25 = scf.for %scan3A_144 = %scan3A_21 to %scan3A_23 step %scan3A_24 iter_args(%scan3A_145 = %scan3A_20) -> (i32)  : i32 {
      %mul3A_146 = arith.constant 128 : i32
      %mul3A_147 = arith.muli %scan3A_144, %mul3A_146 : i32
      %add3A_148 = arith.addi %mul3A_14, %mul3A_147 : i32
      "tpu.region"() ({
        %run_scoped3A = tpu.sem_alloc : memref<!tpu.dma_semaphore, #tpu.memory_space<semaphore_mem>>
        %dma_start3A_153 = arith.constant 0 : i32
        %dma_start3A_154 = tpu.memref_slice %arg20[%add3A_148, %dma_start3A_153] : memref<14336x64xf32, #tpu.memory_space<vmem_shared>> -> memref<128x64xf32, #tpu.memory_space<vmem_shared>>
        %dma_start3A_155 = arith.constant 0 : i32
        %dma_start3A_156 = tpu.memref_slice %arg20[%add3A_148, %dma_start3A_155] : memref<14336x64xf32, #tpu.memory_space<vmem_shared>> -> memref<128x64xf32, #tpu.memory_space<vmem_shared>>
        tpu.enqueue_dma source(%arg12 : memref<128x64xf32, #tpu.memory_space<vmem>>) target(%dma_start3A_156 : memref<128x64xf32, #tpu.memory_space<vmem_shared>>) target_semaphore(%run_scoped3A : memref<!tpu.dma_semaphore, #tpu.memory_space<semaphore_mem>>)
        %dma_wait3A_157 = arith.constant 0 : i32
        %dma_wait3A_158 = tpu.memref_slice %arg20[%add3A_148, %dma_wait3A_157] : memref<14336x64xf32, #tpu.memory_space<vmem_shared>> -> memref<128x64xf32, #tpu.memory_space<vmem_shared>>
        %dma_wait3A_159 = arith.constant 0 : i32
        %dma_wait3A_160 = tpu.memref_slice %arg20[%add3A_148, %dma_wait3A_159] : memref<14336x64xf32, #tpu.memory_space<vmem_shared>> -> memref<128x64xf32, #tpu.memory_space<vmem_shared>>
        tpu.wait_dma2 semaphore(%run_scoped3A : memref<!tpu.dma_semaphore, #tpu.memory_space<semaphore_mem>>) src(%arg12 : memref<128x64xf32, #tpu.memory_space<vmem>>) dst(%dma_wait3A_160 : memref<128x64xf32, #tpu.memory_space<vmem_shared>>)
        tpu.yield
      }) : () -> ()
      %mul3A_149 = arith.constant 128 : i32
      %mul3A_150 = arith.muli %scan3A_144, %mul3A_149 : i32
      %add3A_151 = arith.addi %mul3A_14, %mul3A_150 : i32
      "tpu.region"() ({
        %run_scoped3A = tpu.sem_alloc : memref<!tpu.dma_semaphore, #tpu.memory_space<semaphore_mem>>
        %dma_start3A_153 = tpu.memref_slice %arg21[%add3A_151] : memref<14336xf32, #tpu.memory_space<vmem_shared>> -> memref<128xf32, #tpu.memory_space<vmem_shared>>
        %dma_start3A_154 = tpu.memref_slice %arg21[%add3A_151] : memref<14336xf32, #tpu.memory_space<vmem_shared>> -> memref<128xf32, #tpu.memory_space<vmem_shared>>
        tpu.enqueue_dma source(%arg14 : memref<128xf32, #tpu.memory_space<vmem>>) target(%dma_start3A_154 : memref<128xf32, #tpu.memory_space<vmem_shared>>) target_semaphore(%run_scoped3A : memref<!tpu.dma_semaphore, #tpu.memory_space<semaphore_mem>>)
        %dma_wait3A_155 = tpu.memref_slice %arg21[%add3A_151] : memref<14336xf32, #tpu.memory_space<vmem_shared>> -> memref<128xf32, #tpu.memory_space<vmem_shared>>
        %dma_wait3A_156 = tpu.memref_slice %arg21[%add3A_151] : memref<14336xf32, #tpu.memory_space<vmem_shared>> -> memref<128xf32, #tpu.memory_space<vmem_shared>>
        tpu.wait_dma2 semaphore(%run_scoped3A : memref<!tpu.dma_semaphore, #tpu.memory_space<semaphore_mem>>) src(%arg14 : memref<128xf32, #tpu.memory_space<vmem>>) dst(%dma_wait3A_156 : memref<128xf32, #tpu.memory_space<vmem_shared>>)
        tpu.yield
      }) : () -> ()
      %scan3A_152 = arith.constant 0 : i32
      scf.yield %scan3A_152 : i32
    }
    %scan3A_26 = arith.constant 7 : i32
    %scan3A_27 = arith.constant 0 : i32
    %scan3A_28 = arith.constant 0 : i32
    %scan3A_29 = arith.constant 50 : i32
    %scan3A_30 = arith.addi %scan3A_28, %scan3A_29 : i32
    %scan3A_31 = arith.constant 1 : i32
    %scan3A_32 = scf.for %scan3A_144 = %scan3A_28 to %scan3A_30 step %scan3A_31 iter_args(%scan3A_145 = %scan3A_27) -> (i32)  : i32 {
      %scan3A_146 = arith.constant 0 : i32
      %scan3A_147 = arith.constant 0 : i32
      %scan3A_148 = arith.constant 8 : i32
      %scan3A_149 = arith.addi %scan3A_147, %scan3A_148 : i32
      %scan3A_150 = arith.constant 1 : i32
      %scan3A_151 = scf.for %scan3A_153 = %scan3A_147 to %scan3A_149 step %scan3A_150 iter_args(%scan3A_154 = %scan3A_146) -> (i32)  : i32 {
        %mul3A_155 = arith.constant 16 : i32
        %mul3A_156 = arith.muli %scan3A_153, %mul3A_155 : i32
        %get3A = arith.index_cast %scan3A_144 : i32 to index
        %get3A_157 = arith.index_cast %mul3A_156 : i32 to index
        %get3A_158 = tpu.vector_load %arg9[%get3A, %get3A_157] {strides = array<i32>} : memref<50x128xi32, #tpu.memory_space<vmem>>, vector<16xi32>,
        %mul3A_159 = arith.constant 16 : i32
        %mul3A_160 = arith.muli %scan3A_153, %mul3A_159 : i32
        %get3A_161 = arith.index_cast %scan3A_144 : i32 to index
        %get3A_162 = arith.index_cast %mul3A_160 : i32 to index
        %get3A_163 = tpu.vector_load %arg10[%get3A_161, %get3A_162] {strides = array<i32>} : memref<50x128xi32, #tpu.memory_space<vmem>>, vector<16xi32>,
        %mul3A_164 = arith.constant 50 : i32
        %mul3A_165 = vector.broadcast %mul3A_164 : i32 to vector<16xi32>
        %mul3A_166 = arith.muli %get3A_158, %mul3A_165 : vector<16xi32>
        %add3A_167 = arith.addi %mul3A_166, %get3A_163 : vector<16xi32>
        %sub3A = vector.broadcast %mul3A_19 : i32 to vector<16xi32>
        %sub3A_168 = arith.subi %add3A_167, %sub3A : vector<16xi32>
        %ge3A = arith.constant 0 : i32
        %ge3A_169 = vector.broadcast %ge3A : i32 to vector<16xi32>
        %ge3A_170 = arith.cmpi sge, %sub3A_168, %ge3A_169 : vector<16xi32>
        %lt3A = arith.constant 12800 : i32
        %lt3A_171 = vector.broadcast %lt3A : i32 to vector<16xi32>
        %lt3A_172 = arith.cmpi slt, %sub3A_168, %lt3A_171 : vector<16xi32>
        %and3A = arith.andi %ge3A_170, %lt3A_172 : vector<16xi1>
        %jit3A = arith.constant 12800 : i32
        %broadcast_in_dim3A_173 = vector.broadcast %jit3A : i32 to vector<16xi32>
        %select_n3A = arith.select %and3A, %sub3A_168, %broadcast_in_dim3A_173 : vector<16xi1>, vector<16xi32>
        %mul3A_174 = arith.constant 16 : i32
        %mul3A_175 = arith.muli %scan3A_153, %mul3A_174 : i32
        %swap3A = arith.index_cast %scan3A_144 : i32 to index
        %swap3A_176 = arith.index_cast %mul3A_175 : i32 to index
        %swap3A_177 = tpu.vector_load %arg11[%swap3A, %swap3A_176] {strides = array<i32>} : memref<50x128xi32, #tpu.memory_space<vmem>>, vector<16xi32>,
        tpu.vector_store %arg11[%swap3A, %swap3A_176], %select_n3A {strides = array<i32>} : memref<50x128xi32, #tpu.memory_space<vmem>>, vector<16xi32>,
        %scan3A_178 = arith.constant 0 : i32
        scf.yield %scan3A_178 : i32
      }
      %scan3A_152 = arith.constant 8 : i32
      scf.yield %scan3A_151 : i32
    }
    %scan3A_33 = arith.constant 50 : i32
    %broadcast_in_dim3A_34 = arith.constant 1.000000e+00 : f32
    %broadcast_in_dim3A_35 = vector.broadcast %broadcast_in_dim3A_34 : f32 to vector<16xf32>
    %scan3A_36 = arith.constant 0 : i32
    %scan3A_37 = arith.constant 0 : i32
    %scan3A_38 = arith.constant 8 : i32
    %scan3A_39 = arith.addi %scan3A_37, %scan3A_38 : i32
    %scan3A_40 = arith.constant 1 : i32
    %scan3A_41 = scf.for %scan3A_144 = %scan3A_37 to %scan3A_39 step %scan3A_40 iter_args(%scan3A_145 = %scan3A_36) -> (i32)  : i32 {
      %mul3A_146 = arith.constant 16 : i32
      %mul3A_147 = arith.muli %scan3A_144, %mul3A_146 : i32
      %swap3A = arith.index_cast %mul3A_147 : i32 to index
      %swap3A_148 = tpu.vector_load %arg14[%swap3A] {strides = array<i32>} : memref<128xf32, #tpu.memory_space<vmem>>, vector<16xf32>,
      tpu.vector_store %arg14[%swap3A], %broadcast_in_dim3A_35 {strides = array<i32>} : memref<128xf32, #tpu.memory_space<vmem>>, vector<16xf32>,
      %scan3A_149 = arith.constant 0 : i32
      scf.yield %scan3A_149 : i32
    }
    %scan3A_42 = arith.constant 8 : i32
    %barrier3A = arith.constant 0 : index
    tpu.barrier barrier_id(%barrier3A)
    %dma_start3A = arith.constant 0 : i32
    %dma_start3A_43 = arith.constant 0 : i32
    %dma_start3A_44 = tpu.memref_slice %arg8[%dma_start3A, %dma_start3A_43] : memref<50x128xi32, #tpu.memory_space<vmem>> -> memref<1x128xi32, #tpu.memory_space<vmem>>
    %dma_start3A_45 = tpu.memref_squeeze %dma_start3A_44 : memref<1x128xi32, #tpu.memory_space<vmem>> -> memref<128xi32, #tpu.memory_space<vmem>>
    %dma_start3A_46 = arith.constant 0 : i32
    %dma_start3A_47 = arith.constant 0 : i32
    %dma_start3A_48 = tpu.memref_slice %arg5[%dma_start3A_46, %dma_start3A_47] : memref<1000000x64xf32, #tpu.memory_space<hbm>> -> memref<1000000x64xf32, #tpu.memory_space<hbm>>
    tpu.enqueue_indirect_dma source(%dma_start3A_48 : memref<1000000x64xf32, #tpu.memory_space<hbm>>) target(%arg12 : memref<128x64xf32, #tpu.memory_space<vmem>>) offsets(%dma_start3A_45 : memref<128xi32, #tpu.memory_space<vmem>>) semaphore(%arg22 : memref<!tpu.dma_semaphore, #tpu.memory_space<semaphore_mem>>)
    %scan3A_49 = arith.constant 0 : i32
    %scan3A_50 = arith.constant 0 : i32
    %scan3A_51 = arith.constant 25 : i32
    %scan3A_52 = arith.addi %scan3A_50, %scan3A_51 : i32
    %scan3A_53 = arith.constant 1 : i32
    %scan3A_54 = scf.for %scan3A_144 = %scan3A_50 to %scan3A_52 step %scan3A_53 iter_args(%scan3A_145 = %scan3A_49) -> (i32)  : i32 {
      %mul3A_146 = arith.constant 2 : i32
      %mul3A_147 = arith.muli %mul3A_146, %scan3A_144 : i32
      %add3A_148 = arith.constant 1 : i32
      %add3A_149 = arith.addi %mul3A_147, %add3A_148 : i32
      %dma_start3A_150 = arith.constant 0 : i32
      %dma_start3A_151 = tpu.memref_slice %arg8[%add3A_149, %dma_start3A_150] : memref<50x128xi32, #tpu.memory_space<vmem>> -> memref<1x128xi32, #tpu.memory_space<vmem>>
      %dma_start3A_152 = tpu.memref_squeeze %dma_start3A_151 : memref<1x128xi32, #tpu.memory_space<vmem>> -> memref<128xi32, #tpu.memory_space<vmem>>
      %dma_start3A_153 = arith.constant 0 : i32
      %dma_start3A_154 = arith.constant 0 : i32
      %dma_start3A_155 = tpu.memref_slice %arg5[%dma_start3A_153, %dma_start3A_154] : memref<1000000x64xf32, #tpu.memory_space<hbm>> -> memref<1000000x64xf32, #tpu.memory_space<hbm>>
      tpu.enqueue_indirect_dma source(%dma_start3A_155 : memref<1000000x64xf32, #tpu.memory_space<hbm>>) target(%arg13 : memref<128x64xf32, #tpu.memory_space<vmem>>) offsets(%dma_start3A_152 : memref<128xi32, #tpu.memory_space<vmem>>) semaphore(%arg23 : memref<!tpu.dma_semaphore, #tpu.memory_space<semaphore_mem>>)
      %dma_wait3A_156 = arith.constant 0 : i32
      %dma_wait3A_157 = arith.constant 0 : i32
      %dma_wait3A_158 = tpu.memref_slice %arg8[%dma_wait3A_156, %dma_wait3A_157] : memref<50x128xi32, #tpu.memory_space<vmem>> -> memref<1x128xi32, #tpu.memory_space<vmem>>
      %dma_wait3A_159 = tpu.memref_squeeze %dma_wait3A_158 : memref<1x128xi32, #tpu.memory_space<vmem>> -> memref<128xi32, #tpu.memory_space<vmem>>
      %dma_wait3A_160 = arith.constant 0 : i32
      %dma_wait3A_161 = arith.constant 0 : i32
      %dma_wait3A_162 = tpu.memref_slice %arg5[%dma_wait3A_160, %dma_wait3A_161] : memref<1000000x64xf32, #tpu.memory_space<hbm>> -> memref<1000000x64xf32, #tpu.memory_space<hbm>>
      tpu.wait_indirect_dma semaphore(%arg22 : memref<!tpu.dma_semaphore, #tpu.memory_space<semaphore_mem>>) src(%dma_wait3A_162 : memref<1000000x64xf32, #tpu.memory_space<hbm>>) dst(%arg12 : memref<128x64xf32, #tpu.memory_space<vmem>>)
      "tpu.region"() ({
        %run_scoped3A = tpu.sem_alloc : memref<!tpu.dma_semaphore, #tpu.memory_space<semaphore_mem>>
        %dma_start3A_184 = arith.constant 0 : i32
        %dma_start3A_185 = tpu.memref_slice %arg11[%mul3A_147, %dma_start3A_184] : memref<50x128xi32, #tpu.memory_space<vmem>> -> memref<1x128xi32, #tpu.memory_space<vmem>>
        %dma_start3A_186 = tpu.memref_squeeze %dma_start3A_185 : memref<1x128xi32, #tpu.memory_space<vmem>> -> memref<128xi32, #tpu.memory_space<vmem>>
        %dma_start3A_187 = arith.constant 0 : i32
        %dma_start3A_188 = arith.constant 0 : i32
        %dma_start3A_189 = tpu.memref_slice %arg20[%dma_start3A_187, %dma_start3A_188] : memref<14336x64xf32, #tpu.memory_space<vmem_shared>> -> memref<14336x64xf32, #tpu.memory_space<vmem_shared>>
        tpu.enqueue_indirect_dma source(%arg12 : memref<128x64xf32, #tpu.memory_space<vmem>>) target(%dma_start3A_189 : memref<14336x64xf32, #tpu.memory_space<vmem_shared>>) offsets(%dma_start3A_186 : memref<128xi32, #tpu.memory_space<vmem>>) semaphore(%run_scoped3A : memref<!tpu.dma_semaphore, #tpu.memory_space<semaphore_mem>>) {add = true}
        %dma_wait3A_190 = arith.constant 0 : i32
        %dma_wait3A_191 = tpu.memref_slice %arg11[%mul3A_147, %dma_wait3A_190] : memref<50x128xi32, #tpu.memory_space<vmem>> -> memref<1x128xi32, #tpu.memory_space<vmem>>
        %dma_wait3A_192 = tpu.memref_squeeze %dma_wait3A_191 : memref<1x128xi32, #tpu.memory_space<vmem>> -> memref<128xi32, #tpu.memory_space<vmem>>
        %dma_wait3A_193 = arith.constant 0 : i32
        %dma_wait3A_194 = arith.constant 0 : i32
        %dma_wait3A_195 = tpu.memref_slice %arg20[%dma_wait3A_193, %dma_wait3A_194] : memref<14336x64xf32, #tpu.memory_space<vmem_shared>> -> memref<14336x64xf32, #tpu.memory_space<vmem_shared>>
        tpu.wait_indirect_dma semaphore(%run_scoped3A : memref<!tpu.dma_semaphore, #tpu.memory_space<semaphore_mem>>) src(%arg12 : memref<128x64xf32, #tpu.memory_space<vmem>>) dst(%dma_wait3A_195 : memref<14336x64xf32, #tpu.memory_space<vmem_shared>>)
        tpu.yield
      }) : () -> ()
      "tpu.region"() ({
        %run_scoped3A = tpu.sem_alloc : memref<!tpu.dma_semaphore, #tpu.memory_space<semaphore_mem>>
        %dma_start3A_184 = arith.constant 0 : i32
        %dma_start3A_185 = tpu.memref_slice %arg11[%mul3A_147, %dma_start3A_184] : memref<50x128xi32, #tpu.memory_space<vmem>> -> memref<1x128xi32, #tpu.memory_space<vmem>>
        %dma_start3A_186 = tpu.memref_squeeze %dma_start3A_185 : memref<1x128xi32, #tpu.memory_space<vmem>> -> memref<128xi32, #tpu.memory_space<vmem>>
        %dma_start3A_187 = arith.constant 0 : i32
        %dma_start3A_188 = tpu.memref_slice %arg21[%dma_start3A_187] : memref<14336xf32, #tpu.memory_space<vmem_shared>> -> memref<14336xf32, #tpu.memory_space<vmem_shared>>
        tpu.enqueue_indirect_dma source(%arg14 : memref<128xf32, #tpu.memory_space<vmem>>) target(%dma_start3A_188 : memref<14336xf32, #tpu.memory_space<vmem_shared>>) offsets(%dma_start3A_186 : memref<128xi32, #tpu.memory_space<vmem>>) semaphore(%run_scoped3A : memref<!tpu.dma_semaphore, #tpu.memory_space<semaphore_mem>>) {add = true}
        %dma_wait3A_189 = arith.constant 0 : i32
        %dma_wait3A_190 = tpu.memref_slice %arg11[%mul3A_147, %dma_wait3A_189] : memref<50x128xi32, #tpu.memory_space<vmem>> -> memref<1x128xi32, #tpu.memory_space<vmem>>
        %dma_wait3A_191 = tpu.memref_squeeze %dma_wait3A_190 : memref<1x128xi32, #tpu.memory_space<vmem>> -> memref<128xi32, #tpu.memory_space<vmem>>
        %dma_wait3A_192 = arith.constant 0 : i32
        %dma_wait3A_193 = tpu.memref_slice %arg21[%dma_wait3A_192] : memref<14336xf32, #tpu.memory_space<vmem_shared>> -> memref<14336xf32, #tpu.memory_space<vmem_shared>>
        tpu.wait_indirect_dma semaphore(%run_scoped3A : memref<!tpu.dma_semaphore, #tpu.memory_space<semaphore_mem>>) src(%arg14 : memref<128xf32, #tpu.memory_space<vmem>>) dst(%dma_wait3A_193 : memref<14336xf32, #tpu.memory_space<vmem_shared>>)
        tpu.yield
      }) : () -> ()
      %add3A_163 = arith.constant 2 : i32
      %add3A_164 = arith.addi %mul3A_147, %add3A_163 : i32
      %min3A = arith.constant 49 : i32
      %min3A_165 = arith.minsi %add3A_164, %min3A : i32
      %dma_start3A_166 = arith.constant 0 : i32
      %dma_start3A_167 = tpu.memref_slice %arg8[%min3A_165, %dma_start3A_166] : memref<50x128xi32, #tpu.memory_space<vmem>> -> memref<1x128xi32, #tpu.memory_space<vmem>>
      %dma_start3A_168 = tpu.memref_squeeze %dma_start3A_167 : memref<1x128xi32, #tpu.memory_space<vmem>> -> memref<128xi32, #tpu.memory_space<vmem>>
      %dma_start3A_169 = arith.constant 0 : i32
      %dma_start3A_170 = arith.constant 0 : i32
      %dma_start3A_171 = tpu.memref_slice %arg5[%dma_start3A_169, %dma_start3A_170] : memref<1000000x64xf32, #tpu.memory_space<hbm>> -> memref<1000000x64xf32, #tpu.memory_space<hbm>>
      tpu.enqueue_indirect_dma source(%dma_start3A_171 : memref<1000000x64xf32, #tpu.memory_space<hbm>>) target(%arg12 : memref<128x64xf32, #tpu.memory_space<vmem>>) offsets(%dma_start3A_168 : memref<128xi32, #tpu.memory_space<vmem>>) semaphore(%arg22 : memref<!tpu.dma_semaphore, #tpu.memory_space<semaphore_mem>>)
      %dma_wait3A_172 = arith.constant 0 : i32
      %dma_wait3A_173 = arith.constant 0 : i32
      %dma_wait3A_174 = tpu.memref_slice %arg8[%dma_wait3A_172, %dma_wait3A_173] : memref<50x128xi32, #tpu.memory_space<vmem>> -> memref<1x128xi32, #tpu.memory_space<vmem>>
      %dma_wait3A_175 = tpu.memref_squeeze %dma_wait3A_174 : memref<1x128xi32, #tpu.memory_space<vmem>> -> memref<128xi32, #tpu.memory_space<vmem>>
      %dma_wait3A_176 = arith.constant 0 : i32
      %dma_wait3A_177 = arith.constant 0 : i32
      %dma_wait3A_178 = tpu.memref_slice %arg5[%dma_wait3A_176, %dma_wait3A_177] : memref<1000000x64xf32, #tpu.memory_space<hbm>> -> memref<1000000x64xf32, #tpu.memory_space<hbm>>
      tpu.wait_indirect_dma semaphore(%arg23 : memref<!tpu.dma_semaphore, #tpu.memory_space<semaphore_mem>>) src(%dma_wait3A_178 : memref<1000000x64xf32, #tpu.memory_space<hbm>>) dst(%arg13 : memref<128x64xf32, #tpu.memory_space<vmem>>)
      %add3A_179 = arith.constant 1 : i32
      %add3A_180 = arith.addi %mul3A_147, %add3A_179 : i32
      "tpu.region"() ({
        %run_scoped3A = tpu.sem_alloc : memref<!tpu.dma_semaphore, #tpu.memory_space<semaphore_mem>>
        %dma_start3A_184 = arith.constant 0 : i32
        %dma_start3A_185 = tpu.memref_slice %arg11[%add3A_180, %dma_start3A_184] : memref<50x128xi32, #tpu.memory_space<vmem>> -> memref<1x128xi32, #tpu.memory_space<vmem>>
        %dma_start3A_186 = tpu.memref_squeeze %dma_start3A_185 : memref<1x128xi32, #tpu.memory_space<vmem>> -> memref<128xi32, #tpu.memory_space<vmem>>
        %dma_start3A_187 = arith.constant 0 : i32
        %dma_start3A_188 = arith.constant 0 : i32
        %dma_start3A_189 = tpu.memref_slice %arg20[%dma_start3A_187, %dma_start3A_188] : memref<14336x64xf32, #tpu.memory_space<vmem_shared>> -> memref<14336x64xf32, #tpu.memory_space<vmem_shared>>
        tpu.enqueue_indirect_dma source(%arg13 : memref<128x64xf32, #tpu.memory_space<vmem>>) target(%dma_start3A_189 : memref<14336x64xf32, #tpu.memory_space<vmem_shared>>) offsets(%dma_start3A_186 : memref<128xi32, #tpu.memory_space<vmem>>) semaphore(%run_scoped3A : memref<!tpu.dma_semaphore, #tpu.memory_space<semaphore_mem>>) {add = true}
        %dma_wait3A_190 = arith.constant 0 : i32
        %dma_wait3A_191 = tpu.memref_slice %arg11[%add3A_180, %dma_wait3A_190] : memref<50x128xi32, #tpu.memory_space<vmem>> -> memref<1x128xi32, #tpu.memory_space<vmem>>
        %dma_wait3A_192 = tpu.memref_squeeze %dma_wait3A_191 : memref<1x128xi32, #tpu.memory_space<vmem>> -> memref<128xi32, #tpu.memory_space<vmem>>
        %dma_wait3A_193 = arith.constant 0 : i32
        %dma_wait3A_194 = arith.constant 0 : i32
        %dma_wait3A_195 = tpu.memref_slice %arg20[%dma_wait3A_193, %dma_wait3A_194] : memref<14336x64xf32, #tpu.memory_space<vmem_shared>> -> memref<14336x64xf32, #tpu.memory_space<vmem_shared>>
        tpu.wait_indirect_dma semaphore(%run_scoped3A : memref<!tpu.dma_semaphore, #tpu.memory_space<semaphore_mem>>) src(%arg13 : memref<128x64xf32, #tpu.memory_space<vmem>>) dst(%dma_wait3A_195 : memref<14336x64xf32, #tpu.memory_space<vmem_shared>>)
        tpu.yield
      }) : () -> ()
      %add3A_181 = arith.constant 1 : i32
      %add3A_182 = arith.addi %mul3A_147, %add3A_181 : i32
      "tpu.region"() ({
        %run_scoped3A = tpu.sem_alloc : memref<!tpu.dma_semaphore, #tpu.memory_space<semaphore_mem>>
        %dma_start3A_184 = arith.constant 0 : i32
        %dma_start3A_185 = tpu.memref_slice %arg11[%add3A_182, %dma_start3A_184] : memref<50x128xi32, #tpu.memory_space<vmem>> -> memref<1x128xi32, #tpu.memory_space<vmem>>
        %dma_start3A_186 = tpu.memref_squeeze %dma_start3A_185 : memref<1x128xi32, #tpu.memory_space<vmem>> -> memref<128xi32, #tpu.memory_space<vmem>>
        %dma_start3A_187 = arith.constant 0 : i32
        %dma_start3A_188 = tpu.memref_slice %arg21[%dma_start3A_187] : memref<14336xf32, #tpu.memory_space<vmem_shared>> -> memref<14336xf32, #tpu.memory_space<vmem_shared>>
        tpu.enqueue_indirect_dma source(%arg14 : memref<128xf32, #tpu.memory_space<vmem>>) target(%dma_start3A_188 : memref<14336xf32, #tpu.memory_space<vmem_shared>>) offsets(%dma_start3A_186 : memref<128xi32, #tpu.memory_space<vmem>>) semaphore(%run_scoped3A : memref<!tpu.dma_semaphore, #tpu.memory_space<semaphore_mem>>) {add = true}
        %dma_wait3A_189 = arith.constant 0 : i32
        %dma_wait3A_190 = tpu.memref_slice %arg11[%add3A_182, %dma_wait3A_189] : memref<50x128xi32, #tpu.memory_space<vmem>> -> memref<1x128xi32, #tpu.memory_space<vmem>>
        %dma_wait3A_191 = tpu.memref_squeeze %dma_wait3A_190 : memref<1x128xi32, #tpu.memory_space<vmem>> -> memref<128xi32, #tpu.memory_space<vmem>>
        %dma_wait3A_192 = arith.constant 0 : i32
        %dma_wait3A_193 = tpu.memref_slice %arg21[%dma_wait3A_192] : memref<14336xf32, #tpu.memory_space<vmem_shared>> -> memref<14336xf32, #tpu.memory_space<vmem_shared>>
        tpu.wait_indirect_dma semaphore(%run_scoped3A : memref<!tpu.dma_semaphore, #tpu.memory_space<semaphore_mem>>) src(%arg14 : memref<128xf32, #tpu.memory_space<vmem>>) dst(%dma_wait3A_193 : memref<14336xf32, #tpu.memory_space<vmem_shared>>)
        tpu.yield
      }) : () -> ()
      %scan3A_183 = arith.constant 0 : i32
      scf.yield %scan3A_183 : i32
    }
    %scan3A_55 = arith.constant 25 : i32
    %dma_wait3A = arith.constant 0 : i32
    %dma_wait3A_56 = arith.constant 0 : i32
    %dma_wait3A_57 = tpu.memref_slice %arg8[%dma_wait3A, %dma_wait3A_56] : memref<50x128xi32, #tpu.memory_space<vmem>> -> memref<1x128xi32, #tpu.memory_space<vmem>>
    %dma_wait3A_58 = tpu.memref_squeeze %dma_wait3A_57 : memref<1x128xi32, #tpu.memory_space<vmem>> -> memref<128xi32, #tpu.memory_space<vmem>>
    %dma_wait3A_59 = arith.constant 0 : i32
    %dma_wait3A_60 = arith.constant 0 : i32
    %dma_wait3A_61 = tpu.memref_slice %arg5[%dma_wait3A_59, %dma_wait3A_60] : memref<1000000x64xf32, #tpu.memory_space<hbm>> -> memref<1000000x64xf32, #tpu.memory_space<hbm>>
    tpu.wait_indirect_dma semaphore(%arg22 : memref<!tpu.dma_semaphore, #tpu.memory_space<semaphore_mem>>) src(%dma_wait3A_61 : memref<1000000x64xf32, #tpu.memory_space<hbm>>) dst(%arg12 : memref<128x64xf32, #tpu.memory_space<vmem>>)
    %barrier3A_62 = arith.constant 0 : index
    tpu.barrier barrier_id(%barrier3A_62)
    %scan3A_63 = arith.constant 0 : i32
    %scan3A_64 = arith.constant 0 : i32
    %scan3A_65 = arith.constant 16 : i32
    %scan3A_66 = arith.addi %scan3A_64, %scan3A_65 : i32
    %scan3A_67 = arith.constant 1 : i32
    %scan3A_68 = scf.for %scan3A_144 = %scan3A_64 to %scan3A_66 step %scan3A_67 iter_args(%scan3A_145 = %scan3A_63) -> (i32)  : i32 {
      %mul3A_146 = arith.constant 16 : i32
      %mul3A_147 = arith.muli %arg1, %mul3A_146 : i32
      %add3A_148 = arith.addi %mul3A_147, %scan3A_144 : i32
      %mul3A_149 = arith.constant 50 : i32
      %mul3A_150 = arith.muli %add3A_148, %mul3A_149 : i32
      %and3A = arith.constant 7 : i32
      %and3A_151 = arith.andi %mul3A_150, %and3A : i32
      %sub3A = arith.subi %mul3A_150, %and3A_151 : i32
      %multiple_of3A = tpu.assume_multiple %sub3A, 8 : i32
      %sub3A_152 = arith.subi %mul3A_150, %multiple_of3A : i32
      "tpu.region"() ({
        %run_scoped3A = tpu.sem_alloc : memref<!tpu.dma_semaphore, #tpu.memory_space<semaphore_mem>>
        %dma_start3A_175 = arith.constant 0 : i32
        %dma_start3A_176 = tpu.memref_slice %arg20[%mul3A_150, %dma_start3A_175] : memref<14336x64xf32, #tpu.memory_space<vmem_shared>> -> memref<50x64xf32, #tpu.memory_space<vmem_shared>>
        %dma_start3A_177 = arith.constant 0 : i32
        %dma_start3A_178 = tpu.memref_slice %arg20[%mul3A_150, %dma_start3A_177] : memref<14336x64xf32, #tpu.memory_space<vmem_shared>> -> memref<50x64xf32, #tpu.memory_space<vmem_shared>>
        tpu.enqueue_dma source(%dma_start3A_178 : memref<50x64xf32, #tpu.memory_space<vmem_shared>>) target(%arg16 : memref<50x64xf32, #tpu.memory_space<vmem>>) target_semaphore(%run_scoped3A : memref<!tpu.dma_semaphore, #tpu.memory_space<semaphore_mem>>)
        %dma_wait3A_179 = arith.constant 0 : i32
        %dma_wait3A_180 = tpu.memref_slice %arg20[%mul3A_150, %dma_wait3A_179] : memref<14336x64xf32, #tpu.memory_space<vmem_shared>> -> memref<50x64xf32, #tpu.memory_space<vmem_shared>>
        %dma_wait3A_181 = arith.constant 0 : i32
        %dma_wait3A_182 = tpu.memref_slice %arg20[%mul3A_150, %dma_wait3A_181] : memref<14336x64xf32, #tpu.memory_space<vmem_shared>> -> memref<50x64xf32, #tpu.memory_space<vmem_shared>>
        tpu.wait_dma2 semaphore(%run_scoped3A : memref<!tpu.dma_semaphore, #tpu.memory_space<semaphore_mem>>) src(%dma_wait3A_182 : memref<50x64xf32, #tpu.memory_space<vmem_shared>>) dst(%arg16 : memref<50x64xf32, #tpu.memory_space<vmem>>)
        tpu.yield
      }) : () -> ()
      "tpu.region"() ({
        %run_scoped3A = tpu.sem_alloc : memref<!tpu.dma_semaphore, #tpu.memory_space<semaphore_mem>>
        %dma_start3A_175 = tpu.memref_slice %arg21[%multiple_of3A] : memref<14336xf32, #tpu.memory_space<vmem_shared>> -> memref<128xf32, #tpu.memory_space<vmem_shared>>
        %dma_start3A_176 = tpu.memref_slice %arg21[%multiple_of3A] : memref<14336xf32, #tpu.memory_space<vmem_shared>> -> memref<128xf32, #tpu.memory_space<vmem_shared>>
        tpu.enqueue_dma source(%dma_start3A_176 : memref<128xf32, #tpu.memory_space<vmem_shared>>) target(%arg18 : memref<128xf32, #tpu.memory_space<vmem>>) target_semaphore(%run_scoped3A : memref<!tpu.dma_semaphore, #tpu.memory_space<semaphore_mem>>)
        %dma_wait3A_177 = tpu.memref_slice %arg21[%multiple_of3A] : memref<14336xf32, #tpu.memory_space<vmem_shared>> -> memref<128xf32, #tpu.memory_space<vmem_shared>>
        %dma_wait3A_178 = tpu.memref_slice %arg21[%multiple_of3A] : memref<14336xf32, #tpu.memory_space<vmem_shared>> -> memref<128xf32, #tpu.memory_space<vmem_shared>>
        tpu.wait_dma2 semaphore(%run_scoped3A : memref<!tpu.dma_semaphore, #tpu.memory_space<semaphore_mem>>) src(%dma_wait3A_178 : memref<128xf32, #tpu.memory_space<vmem_shared>>) dst(%arg18 : memref<128xf32, #tpu.memory_space<vmem>>)
        tpu.yield
      }) : () -> ()
      %scan3A_153 = arith.constant 0 : i32
      %scan3A_154 = arith.constant 0 : i32
      %scan3A_155 = arith.constant 8 : i32
      %scan3A_156 = arith.addi %scan3A_154, %scan3A_155 : i32
      %scan3A_157 = arith.constant 1 : i32
      %scan3A_158 = scf.for %scan3A_175 = %scan3A_154 to %scan3A_156 step %scan3A_157 iter_args(%scan3A_176 = %scan3A_153) -> (i32)  : i32 {
        %mul3A_177 = arith.constant 16 : i32
        %mul3A_178 = arith.muli %scan3A_175, %mul3A_177 : i32
        %get3A = arith.index_cast %mul3A_178 : i32 to index
        %get3A_179 = tpu.vector_load %arg18[%get3A] {strides = array<i32>} : memref<128xf32, #tpu.memory_space<vmem>>, vector<16xf32>,
        %gt3A = arith.constant 0.000000e+00 : f32
        %gt3A_180 = vector.broadcast %gt3A : f32 to vector<16xf32>
        %gt3A_181 = arith.cmpf ogt, %get3A_179, %gt3A_180 : vector<16xf32>
        %div3A = arith.constant 1.000000e+00 : f32
        %div3A_182 = vector.broadcast %div3A : f32 to vector<16xf32>
        %div3A_183 = arith.divf %div3A_182, %get3A_179 : vector<16xf32>
        %jit3A = arith.constant 0.000000e+00 : f32
        %broadcast_in_dim3A_184 = vector.broadcast %jit3A : f32 to vector<16xf32>
        %select_n3A = arith.select %gt3A_181, %div3A_183, %broadcast_in_dim3A_184 : vector<16xi1>, vector<16xf32>
        %mul3A_185 = arith.constant 16 : i32
        %mul3A_186 = arith.muli %scan3A_175, %mul3A_185 : i32
        %swap3A = arith.index_cast %mul3A_186 : i32 to index
        %swap3A_187 = tpu.vector_load %arg19[%swap3A] {strides = array<i32>} : memref<128xf32, #tpu.memory_space<vmem>>, vector<16xf32>,
        tpu.vector_store %arg19[%swap3A], %select_n3A {strides = array<i32>} : memref<128xf32, #tpu.memory_space<vmem>>, vector<16xf32>,
        %scan3A_188 = arith.constant 0 : i32
        scf.yield %scan3A_188 : i32
      }
      %scan3A_159 = arith.constant 8 : i32
      %scan3A_160 = arith.constant 0 : i32
      %scan3A_161 = arith.constant 0 : i32
      %scan3A_162 = arith.constant 50 : i32
      %scan3A_163 = arith.addi %scan3A_161, %scan3A_162 : i32
      %scan3A_164 = arith.constant 1 : i32
      %scan3A_165 = scf.for %scan3A_175 = %scan3A_161 to %scan3A_163 step %scan3A_164 iter_args(%scan3A_176 = %scan3A_160) -> (i32)  : i32 {
        %get3A = arith.constant 0 : index
        %get3A_177 = tpu.vector_load %arg15[%get3A] {strides = array<i32>} : memref<3200xi32, #tpu.memory_space<vmem>>, vector<16xi32>,
        %mul3A_178 = arith.constant 0 : i32
        %mul3A_179 = vector.broadcast %mul3A_178 : i32 to vector<16xi32>
        %mul3A_180 = arith.muli %get3A_177, %mul3A_179 : vector<16xi32>
        %add3A_181 = arith.addi %scan3A_175, %sub3A_152 : i32
        %add3A_182 = vector.broadcast %add3A_181 : i32 to vector<16xi32>
        %add3A_183 = arith.addi %mul3A_180, %add3A_182 : vector<16xi32>
        %gather3A = tpu.vector_load_idx %arg19[%add3A_183] : memref<128xf32, #tpu.memory_space<vmem>>[vector<16xi32>], vector<16xf32>,
        %scan3A_184 = arith.constant 0 : i32
        %scan3A_185 = arith.constant 0 : i32
        %scan3A_186 = arith.constant 4 : i32
        %scan3A_187 = arith.addi %scan3A_185, %scan3A_186 : i32
        %scan3A_188 = arith.constant 1 : i32
        %scan3A_189 = scf.for %scan3A_191 = %scan3A_185 to %scan3A_187 step %scan3A_188 iter_args(%scan3A_192 = %scan3A_184) -> (i32)  : i32 {
          %mul3A_193 = arith.constant 16 : i32
          %mul3A_194 = arith.muli %scan3A_191, %mul3A_193 : i32
          %get3A_195 = arith.index_cast %scan3A_175 : i32 to index
          %get3A_196 = arith.index_cast %mul3A_194 : i32 to index
          %get3A_197 = tpu.vector_load %arg16[%get3A_195, %get3A_196] {strides = array<i32>} : memref<50x64xf32, #tpu.memory_space<vmem>>, vector<16xf32>,
          %mul3A_198 = arith.constant 4 : i32
          %mul3A_199 = arith.muli %scan3A_175, %mul3A_198 : i32
          %add3A_200 = arith.addi %mul3A_199, %scan3A_191 : i32
          %mul3A_201 = arith.constant 16 : i32
          %mul3A_202 = arith.muli %add3A_200, %mul3A_201 : i32
          %get3A_203 = arith.index_cast %mul3A_202 : i32 to index
          %get3A_204 = tpu.vector_load %arg15[%get3A_203] {strides = array<i32>} : memref<3200xi32, #tpu.memory_space<vmem>>, vector<16xi32>,
          %mul3A_205 = arith.mulf %get3A_197, %gather3A : vector<16xf32>
          tpu.vector_store_idx %arg17[%get3A_204], %mul3A_205 : memref<3200xf32, #tpu.memory_space<vmem>>[vector<16xi32>], vector<16xf32>,
          %scan3A_206 = arith.constant 0 : i32
          scf.yield %scan3A_206 : i32
        }
        %scan3A_190 = arith.constant 4 : i32
        scf.yield %scan3A_189 : i32
      }
      %scan3A_166 = arith.constant 50 : i32
      %mul3A_167 = arith.constant 2 : i32
      %mul3A_168 = arith.muli %arg0, %mul3A_167 : i32
      %add3A_169 = arith.constant 0 : i32
      %add3A_170 = arith.addi %mul3A_168, %add3A_169 : i32
      %mul3A_171 = arith.constant 256 : i32
      %mul3A_172 = arith.muli %add3A_170, %mul3A_171 : i32
      %add3A_173 = arith.addi %mul3A_172, %add3A_148 : i32
      "tpu.region"() ({
        %run_scoped3A = tpu.sem_alloc : memref<!tpu.dma_semaphore, #tpu.memory_space<semaphore_mem>>
        %dma_start3A_175 = arith.constant 0 : i32
        %dma_start3A_176 = tpu.memref_slice %arg7[%add3A_173, %dma_start3A_175] : memref<1024x3200xf32, #tpu.memory_space<hbm>> -> memref<1x3200xf32, #tpu.memory_space<hbm>>
        %dma_start3A_177 = tpu.memref_squeeze %dma_start3A_176 : memref<1x3200xf32, #tpu.memory_space<hbm>> -> memref<3200xf32, #tpu.memory_space<hbm>>
        %dma_start3A_178 = arith.constant 0 : i32
        %dma_start3A_179 = tpu.memref_slice %arg7[%add3A_173, %dma_start3A_178] : memref<1024x3200xf32, #tpu.memory_space<hbm>> -> memref<1x3200xf32, #tpu.memory_space<hbm>>
        %dma_start3A_180 = tpu.memref_squeeze %dma_start3A_179 : memref<1x3200xf32, #tpu.memory_space<hbm>> -> memref<3200xf32, #tpu.memory_space<hbm>>
        tpu.enqueue_dma source(%arg17 : memref<3200xf32, #tpu.memory_space<vmem>>) target(%dma_start3A_180 : memref<3200xf32, #tpu.memory_space<hbm>>) target_semaphore(%run_scoped3A : memref<!tpu.dma_semaphore, #tpu.memory_space<semaphore_mem>>)
        %dma_wait3A_181 = arith.constant 0 : i32
        %dma_wait3A_182 = tpu.memref_slice %arg7[%add3A_173, %dma_wait3A_181] : memref<1024x3200xf32, #tpu.memory_space<hbm>> -> memref<1x3200xf32, #tpu.memory_space<hbm>>
        %dma_wait3A_183 = tpu.memref_squeeze %dma_wait3A_182 : memref<1x3200xf32, #tpu.memory_space<hbm>> -> memref<3200xf32, #tpu.memory_space<hbm>>
        %dma_wait3A_184 = arith.constant 0 : i32
        %dma_wait3A_185 = tpu.memref_slice %arg7[%add3A_173, %dma_wait3A_184] : memref<1024x3200xf32, #tpu.memory_space<hbm>> -> memref<1x3200xf32, #tpu.memory_space<hbm>>
        %dma_wait3A_186 = tpu.memref_squeeze %dma_wait3A_185 : memref<1x3200xf32, #tpu.memory_space<hbm>> -> memref<3200xf32, #tpu.memory_space<hbm>>
        tpu.wait_dma2 semaphore(%run_scoped3A : memref<!tpu.dma_semaphore, #tpu.memory_space<semaphore_mem>>) src(%arg17 : memref<3200xf32, #tpu.memory_space<vmem>>) dst(%dma_wait3A_186 : memref<3200xf32, #tpu.memory_space<hbm>>)
        tpu.yield
      }) : () -> ()
      %scan3A_174 = arith.constant 0 : i32
      scf.yield %scan3A_174 : i32
    }
    %scan3A_69 = arith.constant 16 : i32
    %scan3A_70 = arith.constant 0 : i32
    %scan3A_71 = arith.constant 0 : i32
    %scan3A_72 = arith.constant 8 : i32
    %scan3A_73 = arith.addi %scan3A_71, %scan3A_72 : i32
    %scan3A_74 = arith.constant 1 : i32
    %scan3A_75 = scf.for %scan3A_144 = %scan3A_71 to %scan3A_73 step %scan3A_74 iter_args(%scan3A_145 = %scan3A_70) -> (i32)  : i32 {
      %mul3A_146 = arith.constant 16 : i32
      %mul3A_147 = arith.muli %scan3A_144, %mul3A_146 : i32
      %swap3A = arith.index_cast %mul3A_147 : i32 to index
      %swap3A_148 = tpu.vector_load %arg14[%swap3A] {strides = array<i32>} : memref<128xf32, #tpu.memory_space<vmem>>, vector<16xf32>,
      tpu.vector_store %arg14[%swap3A], %broadcast_in_dim3A_0 {strides = array<i32>} : memref<128xf32, #tpu.memory_space<vmem>>, vector<16xf32>,
      %scan3A_149 = arith.constant 0 : i32
      scf.yield %scan3A_149 : i32
    }
    %scan3A_76 = arith.constant 8 : i32
    %scan3A_77 = arith.constant 0 : i32
    %scan3A_78 = arith.constant 0 : i32
    %scan3A_79 = arith.constant 128 : i32
    %scan3A_80 = arith.addi %scan3A_78, %scan3A_79 : i32
    %scan3A_81 = arith.constant 1 : i32
    %scan3A_82 = scf.for %scan3A_144 = %scan3A_78 to %scan3A_80 step %scan3A_81 iter_args(%scan3A_145 = %scan3A_77) -> (i32)  : i32 {
      %scan3A_146 = arith.constant 0 : i32
      %scan3A_147 = arith.constant 0 : i32
      %scan3A_148 = arith.constant 4 : i32
      %scan3A_149 = arith.addi %scan3A_147, %scan3A_148 : i32
      %scan3A_150 = arith.constant 1 : i32
      %scan3A_151 = scf.for %scan3A_153 = %scan3A_147 to %scan3A_149 step %scan3A_150 iter_args(%scan3A_154 = %scan3A_146) -> (i32)  : i32 {
        %mul3A_155 = arith.constant 16 : i32
        %mul3A_156 = arith.muli %scan3A_153, %mul3A_155 : i32
        %swap3A = arith.index_cast %scan3A_144 : i32 to index
        %swap3A_157 = arith.index_cast %mul3A_156 : i32 to index
        %swap3A_158 = tpu.vector_load %arg12[%swap3A, %swap3A_157] {strides = array<i32>} : memref<128x64xf32, #tpu.memory_space<vmem>>, vector<16xf32>,
        tpu.vector_store %arg12[%swap3A, %swap3A_157], %broadcast_in_dim3A_0 {strides = array<i32>} : memref<128x64xf32, #tpu.memory_space<vmem>>, vector<16xf32>,
        %scan3A_159 = arith.constant 0 : i32
        scf.yield %scan3A_159 : i32
      }
      %scan3A_152 = arith.constant 4 : i32
      scf.yield %scan3A_151 : i32
    }
    %scan3A_83 = arith.constant 128 : i32
    %barrier3A_84 = arith.constant 0 : index
    tpu.barrier barrier_id(%barrier3A_84)
    %mul3A_85 = arith.constant 2 : i32
    %mul3A_86 = arith.muli %arg0, %mul3A_85 : i32
    %add3A_87 = arith.constant 1 : i32
    %add3A_88 = arith.addi %mul3A_86, %add3A_87 : i32
    %mul3A_89 = arith.constant 12800 : i32
    %mul3A_90 = arith.muli %add3A_88, %mul3A_89 : i32
    %scan3A_91 = arith.constant 0 : i32
    %scan3A_92 = arith.constant 0 : i32
    %scan3A_93 = arith.constant 7 : i32
    %scan3A_94 = arith.addi %scan3A_92, %scan3A_93 : i32
    %scan3A_95 = arith.constant 1 : i32
    %scan3A_96 = scf.for %scan3A_144 = %scan3A_92 to %scan3A_94 step %scan3A_95 iter_args(%scan3A_145 = %scan3A_91) -> (i32)  : i32 {
      %mul3A_146 = arith.constant 128 : i32
      %mul3A_147 = arith.muli %scan3A_144, %mul3A_146 : i32
      %add3A_148 = arith.addi %mul3A_14, %mul3A_147 : i32
      "tpu.region"() ({
        %run_scoped3A = tpu.sem_alloc : memref<!tpu.dma_semaphore, #tpu.memory_space<semaphore_mem>>
        %dma_start3A_153 = arith.constant 0 : i32
        %dma_start3A_154 = tpu.memref_slice %arg20[%add3A_148, %dma_start3A_153] : memref<14336x64xf32, #tpu.memory_space<vmem_shared>> -> memref<128x64xf32, #tpu.memory_space<vmem_shared>>
        %dma_start3A_155 = arith.constant 0 : i32
        %dma_start3A_156 = tpu.memref_slice %arg20[%add3A_148, %dma_start3A_155] : memref<14336x64xf32, #tpu.memory_space<vmem_shared>> -> memref<128x64xf32, #tpu.memory_space<vmem_shared>>
        tpu.enqueue_dma source(%arg12 : memref<128x64xf32, #tpu.memory_space<vmem>>) target(%dma_start3A_156 : memref<128x64xf32, #tpu.memory_space<vmem_shared>>) target_semaphore(%run_scoped3A : memref<!tpu.dma_semaphore, #tpu.memory_space<semaphore_mem>>)
        %dma_wait3A_157 = arith.constant 0 : i32
        %dma_wait3A_158 = tpu.memref_slice %arg20[%add3A_148, %dma_wait3A_157] : memref<14336x64xf32, #tpu.memory_space<vmem_shared>> -> memref<128x64xf32, #tpu.memory_space<vmem_shared>>
        %dma_wait3A_159 = arith.constant 0 : i32
        %dma_wait3A_160 = tpu.memref_slice %arg20[%add3A_148, %dma_wait3A_159] : memref<14336x64xf32, #tpu.memory_space<vmem_shared>> -> memref<128x64xf32, #tpu.memory_space<vmem_shared>>
        tpu.wait_dma2 semaphore(%run_scoped3A : memref<!tpu.dma_semaphore, #tpu.memory_space<semaphore_mem>>) src(%arg12 : memref<128x64xf32, #tpu.memory_space<vmem>>) dst(%dma_wait3A_160 : memref<128x64xf32, #tpu.memory_space<vmem_shared>>)
        tpu.yield
      }) : () -> ()
      %mul3A_149 = arith.constant 128 : i32
      %mul3A_150 = arith.muli %scan3A_144, %mul3A_149 : i32
      %add3A_151 = arith.addi %mul3A_14, %mul3A_150 : i32
      "tpu.region"() ({
        %run_scoped3A = tpu.sem_alloc : memref<!tpu.dma_semaphore, #tpu.memory_space<semaphore_mem>>
        %dma_start3A_153 = tpu.memref_slice %arg21[%add3A_151] : memref<14336xf32, #tpu.memory_space<vmem_shared>> -> memref<128xf32, #tpu.memory_space<vmem_shared>>
        %dma_start3A_154 = tpu.memref_slice %arg21[%add3A_151] : memref<14336xf32, #tpu.memory_space<vmem_shared>> -> memref<128xf32, #tpu.memory_space<vmem_shared>>
        tpu.enqueue_dma source(%arg14 : memref<128xf32, #tpu.memory_space<vmem>>) target(%dma_start3A_154 : memref<128xf32, #tpu.memory_space<vmem_shared>>) target_semaphore(%run_scoped3A : memref<!tpu.dma_semaphore, #tpu.memory_space<semaphore_mem>>)
        %dma_wait3A_155 = tpu.memref_slice %arg21[%add3A_151] : memref<14336xf32, #tpu.memory_space<vmem_shared>> -> memref<128xf32, #tpu.memory_space<vmem_shared>>
        %dma_wait3A_156 = tpu.memref_slice %arg21[%add3A_151] : memref<14336xf32, #tpu.memory_space<vmem_shared>> -> memref<128xf32, #tpu.memory_space<vmem_shared>>
        tpu.wait_dma2 semaphore(%run_scoped3A : memref<!tpu.dma_semaphore, #tpu.memory_space<semaphore_mem>>) src(%arg14 : memref<128xf32, #tpu.memory_space<vmem>>) dst(%dma_wait3A_156 : memref<128xf32, #tpu.memory_space<vmem_shared>>)
        tpu.yield
      }) : () -> ()
      %scan3A_152 = arith.constant 0 : i32
      scf.yield %scan3A_152 : i32
    }
    %scan3A_97 = arith.constant 7 : i32
    %scan3A_98 = arith.constant 0 : i32
    %scan3A_99 = arith.constant 0 : i32
    %scan3A_100 = arith.constant 50 : i32
    %scan3A_101 = arith.addi %scan3A_99, %scan3A_100 : i32
    %scan3A_102 = arith.constant 1 : i32
    %scan3A_103 = scf.for %scan3A_144 = %scan3A_99 to %scan3A_101 step %scan3A_102 iter_args(%scan3A_145 = %scan3A_98) -> (i32)  : i32 {
      %scan3A_146 = arith.constant 0 : i32
      %scan3A_147 = arith.constant 0 : i32
      %scan3A_148 = arith.constant 8 : i32
      %scan3A_149 = arith.addi %scan3A_147, %scan3A_148 : i32
      %scan3A_150 = arith.constant 1 : i32
      %scan3A_151 = scf.for %scan3A_153 = %scan3A_147 to %scan3A_149 step %scan3A_150 iter_args(%scan3A_154 = %scan3A_146) -> (i32)  : i32 {
        %mul3A_155 = arith.constant 16 : i32
        %mul3A_156 = arith.muli %scan3A_153, %mul3A_155 : i32
        %get3A = arith.index_cast %scan3A_144 : i32 to index
        %get3A_157 = arith.index_cast %mul3A_156 : i32 to index
        %get3A_158 = tpu.vector_load %arg9[%get3A, %get3A_157] {strides = array<i32>} : memref<50x128xi32, #tpu.memory_space<vmem>>, vector<16xi32>,
        %mul3A_159 = arith.constant 16 : i32
        %mul3A_160 = arith.muli %scan3A_153, %mul3A_159 : i32
        %get3A_161 = arith.index_cast %scan3A_144 : i32 to index
        %get3A_162 = arith.index_cast %mul3A_160 : i32 to index
        %get3A_163 = tpu.vector_load %arg10[%get3A_161, %get3A_162] {strides = array<i32>} : memref<50x128xi32, #tpu.memory_space<vmem>>, vector<16xi32>,
        %mul3A_164 = arith.constant 50 : i32
        %mul3A_165 = vector.broadcast %mul3A_164 : i32 to vector<16xi32>
        %mul3A_166 = arith.muli %get3A_158, %mul3A_165 : vector<16xi32>
        %add3A_167 = arith.addi %mul3A_166, %get3A_163 : vector<16xi32>
        %sub3A = vector.broadcast %mul3A_90 : i32 to vector<16xi32>
        %sub3A_168 = arith.subi %add3A_167, %sub3A : vector<16xi32>
        %ge3A = arith.constant 0 : i32
        %ge3A_169 = vector.broadcast %ge3A : i32 to vector<16xi32>
        %ge3A_170 = arith.cmpi sge, %sub3A_168, %ge3A_169 : vector<16xi32>
        %lt3A = arith.constant 12800 : i32
        %lt3A_171 = vector.broadcast %lt3A : i32 to vector<16xi32>
        %lt3A_172 = arith.cmpi slt, %sub3A_168, %lt3A_171 : vector<16xi32>
        %and3A = arith.andi %ge3A_170, %lt3A_172 : vector<16xi1>
        %jit3A = arith.constant 12800 : i32
        %broadcast_in_dim3A_173 = vector.broadcast %jit3A : i32 to vector<16xi32>
        %select_n3A = arith.select %and3A, %sub3A_168, %broadcast_in_dim3A_173 : vector<16xi1>, vector<16xi32>
        %mul3A_174 = arith.constant 16 : i32
        %mul3A_175 = arith.muli %scan3A_153, %mul3A_174 : i32
        %swap3A = arith.index_cast %scan3A_144 : i32 to index
        %swap3A_176 = arith.index_cast %mul3A_175 : i32 to index
        %swap3A_177 = tpu.vector_load %arg11[%swap3A, %swap3A_176] {strides = array<i32>} : memref<50x128xi32, #tpu.memory_space<vmem>>, vector<16xi32>,
        tpu.vector_store %arg11[%swap3A, %swap3A_176], %select_n3A {strides = array<i32>} : memref<50x128xi32, #tpu.memory_space<vmem>>, vector<16xi32>,
        %scan3A_178 = arith.constant 0 : i32
        scf.yield %scan3A_178 : i32
      }
      %scan3A_152 = arith.constant 8 : i32
      scf.yield %scan3A_151 : i32
    }
    %scan3A_104 = arith.constant 50 : i32
    %broadcast_in_dim3A_105 = arith.constant 1.000000e+00 : f32
    %broadcast_in_dim3A_106 = vector.broadcast %broadcast_in_dim3A_105 : f32 to vector<16xf32>
    %scan3A_107 = arith.constant 0 : i32
    %scan3A_108 = arith.constant 0 : i32
    %scan3A_109 = arith.constant 8 : i32
    %scan3A_110 = arith.addi %scan3A_108, %scan3A_109 : i32
    %scan3A_111 = arith.constant 1 : i32
    %scan3A_112 = scf.for %scan3A_144 = %scan3A_108 to %scan3A_110 step %scan3A_111 iter_args(%scan3A_145 = %scan3A_107) -> (i32)  : i32 {
      %mul3A_146 = arith.constant 16 : i32
      %mul3A_147 = arith.muli %scan3A_144, %mul3A_146 : i32
      %swap3A = arith.index_cast %mul3A_147 : i32 to index
      %swap3A_148 = tpu.vector_load %arg14[%swap3A] {strides = array<i32>} : memref<128xf32, #tpu.memory_space<vmem>>, vector<16xf32>,
      tpu.vector_store %arg14[%swap3A], %broadcast_in_dim3A_106 {strides = array<i32>} : memref<128xf32, #tpu.memory_space<vmem>>, vector<16xf32>,
      %scan3A_149 = arith.constant 0 : i32
      scf.yield %scan3A_149 : i32
    }
    %scan3A_113 = arith.constant 8 : i32
    %barrier3A_114 = arith.constant 0 : index
    tpu.barrier barrier_id(%barrier3A_114)
    %dma_start3A_115 = arith.constant 0 : i32
    %dma_start3A_116 = arith.constant 0 : i32
    %dma_start3A_117 = tpu.memref_slice %arg8[%dma_start3A_115, %dma_start3A_116] : memref<50x128xi32, #tpu.memory_space<vmem>> -> memref<1x128xi32, #tpu.memory_space<vmem>>
    %dma_start3A_118 = tpu.memref_squeeze %dma_start3A_117 : memref<1x128xi32, #tpu.memory_space<vmem>> -> memref<128xi32, #tpu.memory_space<vmem>>
    %dma_start3A_119 = arith.constant 0 : i32
    %dma_start3A_120 = arith.constant 0 : i32
    %dma_start3A_121 = tpu.memref_slice %arg5[%dma_start3A_119, %dma_start3A_120] : memref<1000000x64xf32, #tpu.memory_space<hbm>> -> memref<1000000x64xf32, #tpu.memory_space<hbm>>
    tpu.enqueue_indirect_dma source(%dma_start3A_121 : memref<1000000x64xf32, #tpu.memory_space<hbm>>) target(%arg12 : memref<128x64xf32, #tpu.memory_space<vmem>>) offsets(%dma_start3A_118 : memref<128xi32, #tpu.memory_space<vmem>>) semaphore(%arg22 : memref<!tpu.dma_semaphore, #tpu.memory_space<semaphore_mem>>)
    %scan3A_122 = arith.constant 0 : i32
    %scan3A_123 = arith.constant 0 : i32
    %scan3A_124 = arith.constant 25 : i32
    %scan3A_125 = arith.addi %scan3A_123, %scan3A_124 : i32
    %scan3A_126 = arith.constant 1 : i32
    %scan3A_127 = scf.for %scan3A_144 = %scan3A_123 to %scan3A_125 step %scan3A_126 iter_args(%scan3A_145 = %scan3A_122) -> (i32)  : i32 {
      %mul3A_146 = arith.constant 2 : i32
      %mul3A_147 = arith.muli %mul3A_146, %scan3A_144 : i32
      %add3A_148 = arith.constant 1 : i32
      %add3A_149 = arith.addi %mul3A_147, %add3A_148 : i32
      %dma_start3A_150 = arith.constant 0 : i32
      %dma_start3A_151 = tpu.memref_slice %arg8[%add3A_149, %dma_start3A_150] : memref<50x128xi32, #tpu.memory_space<vmem>> -> memref<1x128xi32, #tpu.memory_space<vmem>>
      %dma_start3A_152 = tpu.memref_squeeze %dma_start3A_151 : memref<1x128xi32, #tpu.memory_space<vmem>> -> memref<128xi32, #tpu.memory_space<vmem>>
      %dma_start3A_153 = arith.constant 0 : i32
      %dma_start3A_154 = arith.constant 0 : i32
      %dma_start3A_155 = tpu.memref_slice %arg5[%dma_start3A_153, %dma_start3A_154] : memref<1000000x64xf32, #tpu.memory_space<hbm>> -> memref<1000000x64xf32, #tpu.memory_space<hbm>>
      tpu.enqueue_indirect_dma source(%dma_start3A_155 : memref<1000000x64xf32, #tpu.memory_space<hbm>>) target(%arg13 : memref<128x64xf32, #tpu.memory_space<vmem>>) offsets(%dma_start3A_152 : memref<128xi32, #tpu.memory_space<vmem>>) semaphore(%arg23 : memref<!tpu.dma_semaphore, #tpu.memory_space<semaphore_mem>>)
      %dma_wait3A_156 = arith.constant 0 : i32
      %dma_wait3A_157 = arith.constant 0 : i32
      %dma_wait3A_158 = tpu.memref_slice %arg8[%dma_wait3A_156, %dma_wait3A_157] : memref<50x128xi32, #tpu.memory_space<vmem>> -> memref<1x128xi32, #tpu.memory_space<vmem>>
      %dma_wait3A_159 = tpu.memref_squeeze %dma_wait3A_158 : memref<1x128xi32, #tpu.memory_space<vmem>> -> memref<128xi32, #tpu.memory_space<vmem>>
      %dma_wait3A_160 = arith.constant 0 : i32
      %dma_wait3A_161 = arith.constant 0 : i32
      %dma_wait3A_162 = tpu.memref_slice %arg5[%dma_wait3A_160, %dma_wait3A_161] : memref<1000000x64xf32, #tpu.memory_space<hbm>> -> memref<1000000x64xf32, #tpu.memory_space<hbm>>
      tpu.wait_indirect_dma semaphore(%arg22 : memref<!tpu.dma_semaphore, #tpu.memory_space<semaphore_mem>>) src(%dma_wait3A_162 : memref<1000000x64xf32, #tpu.memory_space<hbm>>) dst(%arg12 : memref<128x64xf32, #tpu.memory_space<vmem>>)
      "tpu.region"() ({
        %run_scoped3A = tpu.sem_alloc : memref<!tpu.dma_semaphore, #tpu.memory_space<semaphore_mem>>
        %dma_start3A_184 = arith.constant 0 : i32
        %dma_start3A_185 = tpu.memref_slice %arg11[%mul3A_147, %dma_start3A_184] : memref<50x128xi32, #tpu.memory_space<vmem>> -> memref<1x128xi32, #tpu.memory_space<vmem>>
        %dma_start3A_186 = tpu.memref_squeeze %dma_start3A_185 : memref<1x128xi32, #tpu.memory_space<vmem>> -> memref<128xi32, #tpu.memory_space<vmem>>
        %dma_start3A_187 = arith.constant 0 : i32
        %dma_start3A_188 = arith.constant 0 : i32
        %dma_start3A_189 = tpu.memref_slice %arg20[%dma_start3A_187, %dma_start3A_188] : memref<14336x64xf32, #tpu.memory_space<vmem_shared>> -> memref<14336x64xf32, #tpu.memory_space<vmem_shared>>
        tpu.enqueue_indirect_dma source(%arg12 : memref<128x64xf32, #tpu.memory_space<vmem>>) target(%dma_start3A_189 : memref<14336x64xf32, #tpu.memory_space<vmem_shared>>) offsets(%dma_start3A_186 : memref<128xi32, #tpu.memory_space<vmem>>) semaphore(%run_scoped3A : memref<!tpu.dma_semaphore, #tpu.memory_space<semaphore_mem>>) {add = true}
        %dma_wait3A_190 = arith.constant 0 : i32
        %dma_wait3A_191 = tpu.memref_slice %arg11[%mul3A_147, %dma_wait3A_190] : memref<50x128xi32, #tpu.memory_space<vmem>> -> memref<1x128xi32, #tpu.memory_space<vmem>>
        %dma_wait3A_192 = tpu.memref_squeeze %dma_wait3A_191 : memref<1x128xi32, #tpu.memory_space<vmem>> -> memref<128xi32, #tpu.memory_space<vmem>>
        %dma_wait3A_193 = arith.constant 0 : i32
        %dma_wait3A_194 = arith.constant 0 : i32
        %dma_wait3A_195 = tpu.memref_slice %arg20[%dma_wait3A_193, %dma_wait3A_194] : memref<14336x64xf32, #tpu.memory_space<vmem_shared>> -> memref<14336x64xf32, #tpu.memory_space<vmem_shared>>
        tpu.wait_indirect_dma semaphore(%run_scoped3A : memref<!tpu.dma_semaphore, #tpu.memory_space<semaphore_mem>>) src(%arg12 : memref<128x64xf32, #tpu.memory_space<vmem>>) dst(%dma_wait3A_195 : memref<14336x64xf32, #tpu.memory_space<vmem_shared>>)
        tpu.yield
      }) : () -> ()
      "tpu.region"() ({
        %run_scoped3A = tpu.sem_alloc : memref<!tpu.dma_semaphore, #tpu.memory_space<semaphore_mem>>
        %dma_start3A_184 = arith.constant 0 : i32
        %dma_start3A_185 = tpu.memref_slice %arg11[%mul3A_147, %dma_start3A_184] : memref<50x128xi32, #tpu.memory_space<vmem>> -> memref<1x128xi32, #tpu.memory_space<vmem>>
        %dma_start3A_186 = tpu.memref_squeeze %dma_start3A_185 : memref<1x128xi32, #tpu.memory_space<vmem>> -> memref<128xi32, #tpu.memory_space<vmem>>
        %dma_start3A_187 = arith.constant 0 : i32
        %dma_start3A_188 = tpu.memref_slice %arg21[%dma_start3A_187] : memref<14336xf32, #tpu.memory_space<vmem_shared>> -> memref<14336xf32, #tpu.memory_space<vmem_shared>>
        tpu.enqueue_indirect_dma source(%arg14 : memref<128xf32, #tpu.memory_space<vmem>>) target(%dma_start3A_188 : memref<14336xf32, #tpu.memory_space<vmem_shared>>) offsets(%dma_start3A_186 : memref<128xi32, #tpu.memory_space<vmem>>) semaphore(%run_scoped3A : memref<!tpu.dma_semaphore, #tpu.memory_space<semaphore_mem>>) {add = true}
        %dma_wait3A_189 = arith.constant 0 : i32
        %dma_wait3A_190 = tpu.memref_slice %arg11[%mul3A_147, %dma_wait3A_189] : memref<50x128xi32, #tpu.memory_space<vmem>> -> memref<1x128xi32, #tpu.memory_space<vmem>>
        %dma_wait3A_191 = tpu.memref_squeeze %dma_wait3A_190 : memref<1x128xi32, #tpu.memory_space<vmem>> -> memref<128xi32, #tpu.memory_space<vmem>>
        %dma_wait3A_192 = arith.constant 0 : i32
        %dma_wait3A_193 = tpu.memref_slice %arg21[%dma_wait3A_192] : memref<14336xf32, #tpu.memory_space<vmem_shared>> -> memref<14336xf32, #tpu.memory_space<vmem_shared>>
        tpu.wait_indirect_dma semaphore(%run_scoped3A : memref<!tpu.dma_semaphore, #tpu.memory_space<semaphore_mem>>) src(%arg14 : memref<128xf32, #tpu.memory_space<vmem>>) dst(%dma_wait3A_193 : memref<14336xf32, #tpu.memory_space<vmem_shared>>)
        tpu.yield
      }) : () -> ()
      %add3A_163 = arith.constant 2 : i32
      %add3A_164 = arith.addi %mul3A_147, %add3A_163 : i32
      %min3A = arith.constant 49 : i32
      %min3A_165 = arith.minsi %add3A_164, %min3A : i32
      %dma_start3A_166 = arith.constant 0 : i32
      %dma_start3A_167 = tpu.memref_slice %arg8[%min3A_165, %dma_start3A_166] : memref<50x128xi32, #tpu.memory_space<vmem>> -> memref<1x128xi32, #tpu.memory_space<vmem>>
      %dma_start3A_168 = tpu.memref_squeeze %dma_start3A_167 : memref<1x128xi32, #tpu.memory_space<vmem>> -> memref<128xi32, #tpu.memory_space<vmem>>
      %dma_start3A_169 = arith.constant 0 : i32
      %dma_start3A_170 = arith.constant 0 : i32
      %dma_start3A_171 = tpu.memref_slice %arg5[%dma_start3A_169, %dma_start3A_170] : memref<1000000x64xf32, #tpu.memory_space<hbm>> -> memref<1000000x64xf32, #tpu.memory_space<hbm>>
      tpu.enqueue_indirect_dma source(%dma_start3A_171 : memref<1000000x64xf32, #tpu.memory_space<hbm>>) target(%arg12 : memref<128x64xf32, #tpu.memory_space<vmem>>) offsets(%dma_start3A_168 : memref<128xi32, #tpu.memory_space<vmem>>) semaphore(%arg22 : memref<!tpu.dma_semaphore, #tpu.memory_space<semaphore_mem>>)
      %dma_wait3A_172 = arith.constant 0 : i32
      %dma_wait3A_173 = arith.constant 0 : i32
      %dma_wait3A_174 = tpu.memref_slice %arg8[%dma_wait3A_172, %dma_wait3A_173] : memref<50x128xi32, #tpu.memory_space<vmem>> -> memref<1x128xi32, #tpu.memory_space<vmem>>
      %dma_wait3A_175 = tpu.memref_squeeze %dma_wait3A_174 : memref<1x128xi32, #tpu.memory_space<vmem>> -> memref<128xi32, #tpu.memory_space<vmem>>
      %dma_wait3A_176 = arith.constant 0 : i32
      %dma_wait3A_177 = arith.constant 0 : i32
      %dma_wait3A_178 = tpu.memref_slice %arg5[%dma_wait3A_176, %dma_wait3A_177] : memref<1000000x64xf32, #tpu.memory_space<hbm>> -> memref<1000000x64xf32, #tpu.memory_space<hbm>>
      tpu.wait_indirect_dma semaphore(%arg23 : memref<!tpu.dma_semaphore, #tpu.memory_space<semaphore_mem>>) src(%dma_wait3A_178 : memref<1000000x64xf32, #tpu.memory_space<hbm>>) dst(%arg13 : memref<128x64xf32, #tpu.memory_space<vmem>>)
      %add3A_179 = arith.constant 1 : i32
      %add3A_180 = arith.addi %mul3A_147, %add3A_179 : i32
      "tpu.region"() ({
        %run_scoped3A = tpu.sem_alloc : memref<!tpu.dma_semaphore, #tpu.memory_space<semaphore_mem>>
        %dma_start3A_184 = arith.constant 0 : i32
        %dma_start3A_185 = tpu.memref_slice %arg11[%add3A_180, %dma_start3A_184] : memref<50x128xi32, #tpu.memory_space<vmem>> -> memref<1x128xi32, #tpu.memory_space<vmem>>
        %dma_start3A_186 = tpu.memref_squeeze %dma_start3A_185 : memref<1x128xi32, #tpu.memory_space<vmem>> -> memref<128xi32, #tpu.memory_space<vmem>>
        %dma_start3A_187 = arith.constant 0 : i32
        %dma_start3A_188 = arith.constant 0 : i32
        %dma_start3A_189 = tpu.memref_slice %arg20[%dma_start3A_187, %dma_start3A_188] : memref<14336x64xf32, #tpu.memory_space<vmem_shared>> -> memref<14336x64xf32, #tpu.memory_space<vmem_shared>>
        tpu.enqueue_indirect_dma source(%arg13 : memref<128x64xf32, #tpu.memory_space<vmem>>) target(%dma_start3A_189 : memref<14336x64xf32, #tpu.memory_space<vmem_shared>>) offsets(%dma_start3A_186 : memref<128xi32, #tpu.memory_space<vmem>>) semaphore(%run_scoped3A : memref<!tpu.dma_semaphore, #tpu.memory_space<semaphore_mem>>) {add = true}
        %dma_wait3A_190 = arith.constant 0 : i32
        %dma_wait3A_191 = tpu.memref_slice %arg11[%add3A_180, %dma_wait3A_190] : memref<50x128xi32, #tpu.memory_space<vmem>> -> memref<1x128xi32, #tpu.memory_space<vmem>>
        %dma_wait3A_192 = tpu.memref_squeeze %dma_wait3A_191 : memref<1x128xi32, #tpu.memory_space<vmem>> -> memref<128xi32, #tpu.memory_space<vmem>>
        %dma_wait3A_193 = arith.constant 0 : i32
        %dma_wait3A_194 = arith.constant 0 : i32
        %dma_wait3A_195 = tpu.memref_slice %arg20[%dma_wait3A_193, %dma_wait3A_194] : memref<14336x64xf32, #tpu.memory_space<vmem_shared>> -> memref<14336x64xf32, #tpu.memory_space<vmem_shared>>
        tpu.wait_indirect_dma semaphore(%run_scoped3A : memref<!tpu.dma_semaphore, #tpu.memory_space<semaphore_mem>>) src(%arg13 : memref<128x64xf32, #tpu.memory_space<vmem>>) dst(%dma_wait3A_195 : memref<14336x64xf32, #tpu.memory_space<vmem_shared>>)
        tpu.yield
      }) : () -> ()
      %add3A_181 = arith.constant 1 : i32
      %add3A_182 = arith.addi %mul3A_147, %add3A_181 : i32
      "tpu.region"() ({
        %run_scoped3A = tpu.sem_alloc : memref<!tpu.dma_semaphore, #tpu.memory_space<semaphore_mem>>
        %dma_start3A_184 = arith.constant 0 : i32
        %dma_start3A_185 = tpu.memref_slice %arg11[%add3A_182, %dma_start3A_184] : memref<50x128xi32, #tpu.memory_space<vmem>> -> memref<1x128xi32, #tpu.memory_space<vmem>>
        %dma_start3A_186 = tpu.memref_squeeze %dma_start3A_185 : memref<1x128xi32, #tpu.memory_space<vmem>> -> memref<128xi32, #tpu.memory_space<vmem>>
        %dma_start3A_187 = arith.constant 0 : i32
        %dma_start3A_188 = tpu.memref_slice %arg21[%dma_start3A_187] : memref<14336xf32, #tpu.memory_space<vmem_shared>> -> memref<14336xf32, #tpu.memory_space<vmem_shared>>
        tpu.enqueue_indirect_dma source(%arg14 : memref<128xf32, #tpu.memory_space<vmem>>) target(%dma_start3A_188 : memref<14336xf32, #tpu.memory_space<vmem_shared>>) offsets(%dma_start3A_186 : memref<128xi32, #tpu.memory_space<vmem>>) semaphore(%run_scoped3A : memref<!tpu.dma_semaphore, #tpu.memory_space<semaphore_mem>>) {add = true}
        %dma_wait3A_189 = arith.constant 0 : i32
        %dma_wait3A_190 = tpu.memref_slice %arg11[%add3A_182, %dma_wait3A_189] : memref<50x128xi32, #tpu.memory_space<vmem>> -> memref<1x128xi32, #tpu.memory_space<vmem>>
        %dma_wait3A_191 = tpu.memref_squeeze %dma_wait3A_190 : memref<1x128xi32, #tpu.memory_space<vmem>> -> memref<128xi32, #tpu.memory_space<vmem>>
        %dma_wait3A_192 = arith.constant 0 : i32
        %dma_wait3A_193 = tpu.memref_slice %arg21[%dma_wait3A_192] : memref<14336xf32, #tpu.memory_space<vmem_shared>> -> memref<14336xf32, #tpu.memory_space<vmem_shared>>
        tpu.wait_indirect_dma semaphore(%run_scoped3A : memref<!tpu.dma_semaphore, #tpu.memory_space<semaphore_mem>>) src(%arg14 : memref<128xf32, #tpu.memory_space<vmem>>) dst(%dma_wait3A_193 : memref<14336xf32, #tpu.memory_space<vmem_shared>>)
        tpu.yield
      }) : () -> ()
      %scan3A_183 = arith.constant 0 : i32
      scf.yield %scan3A_183 : i32
    }
    %scan3A_128 = arith.constant 25 : i32
    %dma_wait3A_129 = arith.constant 0 : i32
    %dma_wait3A_130 = arith.constant 0 : i32
    %dma_wait3A_131 = tpu.memref_slice %arg8[%dma_wait3A_129, %dma_wait3A_130] : memref<50x128xi32, #tpu.memory_space<vmem>> -> memref<1x128xi32, #tpu.memory_space<vmem>>
    %dma_wait3A_132 = tpu.memref_squeeze %dma_wait3A_131 : memref<1x128xi32, #tpu.memory_space<vmem>> -> memref<128xi32, #tpu.memory_space<vmem>>
    %dma_wait3A_133 = arith.constant 0 : i32
    %dma_wait3A_134 = arith.constant 0 : i32
    %dma_wait3A_135 = tpu.memref_slice %arg5[%dma_wait3A_133, %dma_wait3A_134] : memref<1000000x64xf32, #tpu.memory_space<hbm>> -> memref<1000000x64xf32, #tpu.memory_space<hbm>>
    tpu.wait_indirect_dma semaphore(%arg22 : memref<!tpu.dma_semaphore, #tpu.memory_space<semaphore_mem>>) src(%dma_wait3A_135 : memref<1000000x64xf32, #tpu.memory_space<hbm>>) dst(%arg12 : memref<128x64xf32, #tpu.memory_space<vmem>>)
    %barrier3A_136 = arith.constant 0 : index
    tpu.barrier barrier_id(%barrier3A_136)
    %scan3A_137 = arith.constant 0 : i32
    %scan3A_138 = arith.constant 0 : i32
    %scan3A_139 = arith.constant 16 : i32
    %scan3A_140 = arith.addi %scan3A_138, %scan3A_139 : i32
    %scan3A_141 = arith.constant 1 : i32
    %scan3A_142 = scf.for %scan3A_144 = %scan3A_138 to %scan3A_140 step %scan3A_141 iter_args(%scan3A_145 = %scan3A_137) -> (i32)  : i32 {
      %mul3A_146 = arith.constant 16 : i32
      %mul3A_147 = arith.muli %arg1, %mul3A_146 : i32
      %add3A_148 = arith.addi %mul3A_147, %scan3A_144 : i32
      %mul3A_149 = arith.constant 50 : i32
      %mul3A_150 = arith.muli %add3A_148, %mul3A_149 : i32
      %and3A = arith.constant 7 : i32
      %and3A_151 = arith.andi %mul3A_150, %and3A : i32
      %sub3A = arith.subi %mul3A_150, %and3A_151 : i32
      %multiple_of3A = tpu.assume_multiple %sub3A, 8 : i32
      %sub3A_152 = arith.subi %mul3A_150, %multiple_of3A : i32
      "tpu.region"() ({
        %run_scoped3A = tpu.sem_alloc : memref<!tpu.dma_semaphore, #tpu.memory_space<semaphore_mem>>
        %dma_start3A_175 = arith.constant 0 : i32
        %dma_start3A_176 = tpu.memref_slice %arg20[%mul3A_150, %dma_start3A_175] : memref<14336x64xf32, #tpu.memory_space<vmem_shared>> -> memref<50x64xf32, #tpu.memory_space<vmem_shared>>
        %dma_start3A_177 = arith.constant 0 : i32
        %dma_start3A_178 = tpu.memref_slice %arg20[%mul3A_150, %dma_start3A_177] : memref<14336x64xf32, #tpu.memory_space<vmem_shared>> -> memref<50x64xf32, #tpu.memory_space<vmem_shared>>
        tpu.enqueue_dma source(%dma_start3A_178 : memref<50x64xf32, #tpu.memory_space<vmem_shared>>) target(%arg16 : memref<50x64xf32, #tpu.memory_space<vmem>>) target_semaphore(%run_scoped3A : memref<!tpu.dma_semaphore, #tpu.memory_space<semaphore_mem>>)
        %dma_wait3A_179 = arith.constant 0 : i32
        %dma_wait3A_180 = tpu.memref_slice %arg20[%mul3A_150, %dma_wait3A_179] : memref<14336x64xf32, #tpu.memory_space<vmem_shared>> -> memref<50x64xf32, #tpu.memory_space<vmem_shared>>
        %dma_wait3A_181 = arith.constant 0 : i32
        %dma_wait3A_182 = tpu.memref_slice %arg20[%mul3A_150, %dma_wait3A_181] : memref<14336x64xf32, #tpu.memory_space<vmem_shared>> -> memref<50x64xf32, #tpu.memory_space<vmem_shared>>
        tpu.wait_dma2 semaphore(%run_scoped3A : memref<!tpu.dma_semaphore, #tpu.memory_space<semaphore_mem>>) src(%dma_wait3A_182 : memref<50x64xf32, #tpu.memory_space<vmem_shared>>) dst(%arg16 : memref<50x64xf32, #tpu.memory_space<vmem>>)
        tpu.yield
      }) : () -> ()
      "tpu.region"() ({
        %run_scoped3A = tpu.sem_alloc : memref<!tpu.dma_semaphore, #tpu.memory_space<semaphore_mem>>
        %dma_start3A_175 = tpu.memref_slice %arg21[%multiple_of3A] : memref<14336xf32, #tpu.memory_space<vmem_shared>> -> memref<128xf32, #tpu.memory_space<vmem_shared>>
        %dma_start3A_176 = tpu.memref_slice %arg21[%multiple_of3A] : memref<14336xf32, #tpu.memory_space<vmem_shared>> -> memref<128xf32, #tpu.memory_space<vmem_shared>>
        tpu.enqueue_dma source(%dma_start3A_176 : memref<128xf32, #tpu.memory_space<vmem_shared>>) target(%arg18 : memref<128xf32, #tpu.memory_space<vmem>>) target_semaphore(%run_scoped3A : memref<!tpu.dma_semaphore, #tpu.memory_space<semaphore_mem>>)
        %dma_wait3A_177 = tpu.memref_slice %arg21[%multiple_of3A] : memref<14336xf32, #tpu.memory_space<vmem_shared>> -> memref<128xf32, #tpu.memory_space<vmem_shared>>
        %dma_wait3A_178 = tpu.memref_slice %arg21[%multiple_of3A] : memref<14336xf32, #tpu.memory_space<vmem_shared>> -> memref<128xf32, #tpu.memory_space<vmem_shared>>
        tpu.wait_dma2 semaphore(%run_scoped3A : memref<!tpu.dma_semaphore, #tpu.memory_space<semaphore_mem>>) src(%dma_wait3A_178 : memref<128xf32, #tpu.memory_space<vmem_shared>>) dst(%arg18 : memref<128xf32, #tpu.memory_space<vmem>>)
        tpu.yield
      }) : () -> ()
      %scan3A_153 = arith.constant 0 : i32
      %scan3A_154 = arith.constant 0 : i32
      %scan3A_155 = arith.constant 8 : i32
      %scan3A_156 = arith.addi %scan3A_154, %scan3A_155 : i32
      %scan3A_157 = arith.constant 1 : i32
      %scan3A_158 = scf.for %scan3A_175 = %scan3A_154 to %scan3A_156 step %scan3A_157 iter_args(%scan3A_176 = %scan3A_153) -> (i32)  : i32 {
        %mul3A_177 = arith.constant 16 : i32
        %mul3A_178 = arith.muli %scan3A_175, %mul3A_177 : i32
        %get3A = arith.index_cast %mul3A_178 : i32 to index
        %get3A_179 = tpu.vector_load %arg18[%get3A] {strides = array<i32>} : memref<128xf32, #tpu.memory_space<vmem>>, vector<16xf32>,
        %gt3A = arith.constant 0.000000e+00 : f32
        %gt3A_180 = vector.broadcast %gt3A : f32 to vector<16xf32>
        %gt3A_181 = arith.cmpf ogt, %get3A_179, %gt3A_180 : vector<16xf32>
        %div3A = arith.constant 1.000000e+00 : f32
        %div3A_182 = vector.broadcast %div3A : f32 to vector<16xf32>
        %div3A_183 = arith.divf %div3A_182, %get3A_179 : vector<16xf32>
        %jit3A = arith.constant 0.000000e+00 : f32
        %broadcast_in_dim3A_184 = vector.broadcast %jit3A : f32 to vector<16xf32>
        %select_n3A = arith.select %gt3A_181, %div3A_183, %broadcast_in_dim3A_184 : vector<16xi1>, vector<16xf32>
        %mul3A_185 = arith.constant 16 : i32
        %mul3A_186 = arith.muli %scan3A_175, %mul3A_185 : i32
        %swap3A = arith.index_cast %mul3A_186 : i32 to index
        %swap3A_187 = tpu.vector_load %arg19[%swap3A] {strides = array<i32>} : memref<128xf32, #tpu.memory_space<vmem>>, vector<16xf32>,
        tpu.vector_store %arg19[%swap3A], %select_n3A {strides = array<i32>} : memref<128xf32, #tpu.memory_space<vmem>>, vector<16xf32>,
        %scan3A_188 = arith.constant 0 : i32
        scf.yield %scan3A_188 : i32
      }
      %scan3A_159 = arith.constant 8 : i32
      %scan3A_160 = arith.constant 0 : i32
      %scan3A_161 = arith.constant 0 : i32
      %scan3A_162 = arith.constant 50 : i32
      %scan3A_163 = arith.addi %scan3A_161, %scan3A_162 : i32
      %scan3A_164 = arith.constant 1 : i32
      %scan3A_165 = scf.for %scan3A_175 = %scan3A_161 to %scan3A_163 step %scan3A_164 iter_args(%scan3A_176 = %scan3A_160) -> (i32)  : i32 {
        %get3A = arith.constant 0 : index
        %get3A_177 = tpu.vector_load %arg15[%get3A] {strides = array<i32>} : memref<3200xi32, #tpu.memory_space<vmem>>, vector<16xi32>,
        %mul3A_178 = arith.constant 0 : i32
        %mul3A_179 = vector.broadcast %mul3A_178 : i32 to vector<16xi32>
        %mul3A_180 = arith.muli %get3A_177, %mul3A_179 : vector<16xi32>
        %add3A_181 = arith.addi %scan3A_175, %sub3A_152 : i32
        %add3A_182 = vector.broadcast %add3A_181 : i32 to vector<16xi32>
        %add3A_183 = arith.addi %mul3A_180, %add3A_182 : vector<16xi32>
        %gather3A = tpu.vector_load_idx %arg19[%add3A_183] : memref<128xf32, #tpu.memory_space<vmem>>[vector<16xi32>], vector<16xf32>,
        %scan3A_184 = arith.constant 0 : i32
        %scan3A_185 = arith.constant 0 : i32
        %scan3A_186 = arith.constant 4 : i32
        %scan3A_187 = arith.addi %scan3A_185, %scan3A_186 : i32
        %scan3A_188 = arith.constant 1 : i32
        %scan3A_189 = scf.for %scan3A_191 = %scan3A_185 to %scan3A_187 step %scan3A_188 iter_args(%scan3A_192 = %scan3A_184) -> (i32)  : i32 {
          %mul3A_193 = arith.constant 16 : i32
          %mul3A_194 = arith.muli %scan3A_191, %mul3A_193 : i32
          %get3A_195 = arith.index_cast %scan3A_175 : i32 to index
          %get3A_196 = arith.index_cast %mul3A_194 : i32 to index
          %get3A_197 = tpu.vector_load %arg16[%get3A_195, %get3A_196] {strides = array<i32>} : memref<50x64xf32, #tpu.memory_space<vmem>>, vector<16xf32>,
          %mul3A_198 = arith.constant 4 : i32
          %mul3A_199 = arith.muli %scan3A_175, %mul3A_198 : i32
          %add3A_200 = arith.addi %mul3A_199, %scan3A_191 : i32
          %mul3A_201 = arith.constant 16 : i32
          %mul3A_202 = arith.muli %add3A_200, %mul3A_201 : i32
          %get3A_203 = arith.index_cast %mul3A_202 : i32 to index
          %get3A_204 = tpu.vector_load %arg15[%get3A_203] {strides = array<i32>} : memref<3200xi32, #tpu.memory_space<vmem>>, vector<16xi32>,
          %mul3A_205 = arith.mulf %get3A_197, %gather3A : vector<16xf32>
          tpu.vector_store_idx %arg17[%get3A_204], %mul3A_205 : memref<3200xf32, #tpu.memory_space<vmem>>[vector<16xi32>], vector<16xf32>,
          %scan3A_206 = arith.constant 0 : i32
          scf.yield %scan3A_206 : i32
        }
        %scan3A_190 = arith.constant 4 : i32
        scf.yield %scan3A_189 : i32
      }
      %scan3A_166 = arith.constant 50 : i32
      %mul3A_167 = arith.constant 2 : i32
      %mul3A_168 = arith.muli %arg0, %mul3A_167 : i32
      %add3A_169 = arith.constant 1 : i32
      %add3A_170 = arith.addi %mul3A_168, %add3A_169 : i32
      %mul3A_171 = arith.constant 256 : i32
      %mul3A_172 = arith.muli %add3A_170, %mul3A_171 : i32
      %add3A_173 = arith.addi %mul3A_172, %add3A_148 : i32
      "tpu.region"() ({
        %run_scoped3A = tpu.sem_alloc : memref<!tpu.dma_semaphore, #tpu.memory_space<semaphore_mem>>
        %dma_start3A_175 = arith.constant 0 : i32
        %dma_start3A_176 = tpu.memref_slice %arg7[%add3A_173, %dma_start3A_175] : memref<1024x3200xf32, #tpu.memory_space<hbm>> -> memref<1x3200xf32, #tpu.memory_space<hbm>>
        %dma_start3A_177 = tpu.memref_squeeze %dma_start3A_176 : memref<1x3200xf32, #tpu.memory_space<hbm>> -> memref<3200xf32, #tpu.memory_space<hbm>>
        %dma_start3A_178 = arith.constant 0 : i32
        %dma_start3A_179 = tpu.memref_slice %arg7[%add3A_173, %dma_start3A_178] : memref<1024x3200xf32, #tpu.memory_space<hbm>> -> memref<1x3200xf32, #tpu.memory_space<hbm>>
        %dma_start3A_180 = tpu.memref_squeeze %dma_start3A_179 : memref<1x3200xf32, #tpu.memory_space<hbm>> -> memref<3200xf32, #tpu.memory_space<hbm>>
        tpu.enqueue_dma source(%arg17 : memref<3200xf32, #tpu.memory_space<vmem>>) target(%dma_start3A_180 : memref<3200xf32, #tpu.memory_space<hbm>>) target_semaphore(%run_scoped3A : memref<!tpu.dma_semaphore, #tpu.memory_space<semaphore_mem>>)
        %dma_wait3A_181 = arith.constant 0 : i32
        %dma_wait3A_182 = tpu.memref_slice %arg7[%add3A_173, %dma_wait3A_181] : memref<1024x3200xf32, #tpu.memory_space<hbm>> -> memref<1x3200xf32, #tpu.memory_space<hbm>>
        %dma_wait3A_183 = tpu.memref_squeeze %dma_wait3A_182 : memref<1x3200xf32, #tpu.memory_space<hbm>> -> memref<3200xf32, #tpu.memory_space<hbm>>
        %dma_wait3A_184 = arith.constant 0 : i32
        %dma_wait3A_185 = tpu.memref_slice %arg7[%add3A_173, %dma_wait3A_184] : memref<1024x3200xf32, #tpu.memory_space<hbm>> -> memref<1x3200xf32, #tpu.memory_space<hbm>>
        %dma_wait3A_186 = tpu.memref_squeeze %dma_wait3A_185 : memref<1x3200xf32, #tpu.memory_space<hbm>> -> memref<3200xf32, #tpu.memory_space<hbm>>
        tpu.wait_dma2 semaphore(%run_scoped3A : memref<!tpu.dma_semaphore, #tpu.memory_space<semaphore_mem>>) src(%arg17 : memref<3200xf32, #tpu.memory_space<vmem>>) dst(%dma_wait3A_186 : memref<3200xf32, #tpu.memory_space<hbm>>)
        tpu.yield
      }) : () -> ()
      %scan3A_174 = arith.constant 0 : i32
      scf.yield %scan3A_174 : i32
    }
    %scan3A_143 = arith.constant 16 : i32
    return
  }
}

</mosaic_0001>

<sc_bundles>
// kernel: kernel.3.cloned.1.call-start
scs
__scs_entry_jumppad:
0x0: {  	(pc) =	sbr.rel $0x88, $3  }
0x1: {  	(tag) =	ssettag $0x0;
	lr =	simm.s32 $0x1  }
0x2: {  	[smem:$0x3F9D] =	sst lr;
	_ =	strace $0xD0000000  }
0x3: {  	_ = 	snop  }
0x4: {  	_ = 	snop  }
0x5: {  	_ = 	snop  }
0x6: {  	_ = 	snop  }
0x7: {  	_ = 	snop  }
__scs_overlays_trampoline_lowered:
0x8: {  	[smem:$0x3FAC] =	sst s0  }
0x9: {  	[smem:$0x3FAD] =	sst s1  }
0xa: {  	[smem:$0x3FAE] =	sst s2  }
0xb: {  	[smem:$0x3FAF] =	sst s3  }
0xc: {  	[smem:$0x3FB0] =	sst s4  }
0xd: {  	[smem:$0x3FB1] =	sst s5  }
0xe: {  	[smem:$0x3FB2] =	sst s6  }
0xf: {  	[smem:$0x3FB3] =	sst s7  }
0x10: {  	[smem:$0x3FB4] =	sst s8  }
0x11: {  	[smem:$0x3FB5] =	sst s9;
	s0 =	simm.s32 @!p0 $0x0  }
0x12: {  	s1 =	sld [smem:$0x3F9B];
	s0 =	simm.s32 @p0 $0x1  }
0x13: {  	[smem:$0x3FB6] =	sst s0;
	s0 =	simm.s32 @!p1 $0x0  }
0x14: {  	s2 =	sld [smem:$0x3F9A];
	s0 =	simm.s32 @p1 $0x1  }
0x15: {  	[smem:$0x3FB7] =	sst s0;
	s0 =	simm.s32 @!p2 $0x0  }
0x16: {  	s3 =	sld [smem:$0x3FDB];
	s0 =	simm.s32 @p2 $0x1  }
0x17: {  	s4 =	simm.s32 $0x1BF5;
	[smem:$0x3FB9] =	sst s0  }
0x18: {  	s0 =	sld [smem:$0x3F9C];
	_ =	swait.ge [sflag:s4], $0x0  }
0x19: {  	s7 =	sld [smem:$0x3F9D]  }
0x1a: {  	s8 =	sadd.s32 $0xFFFFE003, lr  }
0x1b: {  	s9 =	sadd.s32 $0xFFFFFEF7, lr;
	s5 =	simm.s32 $0xFFFFFFFF;
	p2 =	slt.u32 s8, $0xFFFFF086  }
0x1c: {  	p1 =	slt.u32 s9, $0xF7A;
	s5 =	simm.s32 @!p2 $0x0  }
0x1d: {  	s5 =	simm.s32 @p1 $0x1;
	p0 =	seq.s32 s7, s2  }
0x1e: {  	s7 =	smul.u32 @!p0 $0xF7A, s2;
	p2 =	seq.s32 @!p0 s5, $0x0  }
0x1f: {  	s9 =	smul.u32 $0xF7A, s1;
	s8 =	simm.s32 @!p0 $0x1BF5;
	p2 =	por !p2, p0  }
0x20: {  	[sflag:s8] =	ssyncset.s32 @!p0 $0xFFFFF086;
	s6 =	sadd.s32 @!p0 s3, s7;
	s7 =	simm.s32 @!p0 $0x108  }
0x21: {  	s3 =	sadd.s32 s3, s9;
	s6 =	sadd.s32 @!p0 $0x88, s6;
	s7 =	simm.s32 @p2 $0x1082  }
0x22: {  	[simem:s7], [sflag:s8] =	dma.local @!p0 [hbm:s6], $0xF7A  }
0x23: {  	s9 =	sor.u32 $0xD0000000, s2;
	s6 =	simm.s32 $0x108;
	_ =	swait.ge @!p0 [sflag:s8], $0x0  }
0x24: {  	s3 =	sadd.s32 $0x88, s3;
	s6 =	simm.s32 @!p1 $0x1082;
	[sflag:s4] =	ssyncset.s32 $0xFFFFF086  }
0x25: {  	[simem:s6], [sflag:s4] =	dma.local [hbm:s3], $0xF7A  }
0x26: {  	[smem:$0x3F9D] =	sst s1;
	(tag) =	ssettag s2;
	_ =	strace s9  }
0x27: {  	s1 =	sld [smem:$0x3FAD]  }
0x28: {  	s2 =	sld [smem:$0x3FAE]  }
0x29: {  	s4 =	sld [smem:$0x3FB0]  }
0x2a: {  	p0 =	seq.s32 s5, $0x0;
	s5 =	sld [smem:$0x3FB1]  }
0x2b: {  	s6 =	sld [smem:$0x3FB2]  }
0x2c: {  	s7 =	sld [smem:$0x3FB3]  }
0x2d: {  	s3 =	simm.s32 $0x108;
	s8 =	sld [smem:$0x3FB4]  }
0x2e: {  	s3 =	simm.s32 @!p0 $0x1082;
	s9 =	sld [smem:$0x3FB5]  }
0x2f: {  	lr =	sadd.s32 s0, s3;
	s0 =	sld [smem:$0x3FAC]  }
0x30: {  	s3 =	sld [smem:$0x3FAF]  }
0x31: {  	[smem:$0x3FB8] =	sst s10  }
0x32: {  	s10 =	sld [smem:$0x3FB6];
	_ =	sdelay $0x3  }
0x33: {  	p0 =	seq.s32 s10, $0x1;
	s10 =	sld [smem:$0x3FB8];
	_ =	sdelay $0x3  }
0x34: {  	[smem:$0x3FB8] =	sst s10  }
0x35: {  	s10 =	sld [smem:$0x3FB7];
	_ =	sdelay $0x3  }
0x36: {  	p1 =	seq.s32 s10, $0x1;
	s10 =	sld [smem:$0x3FB8];
	_ =	sdelay $0x3  }
0x37: {  	[smem:$0x3FB8] =	sst s10  }
0x38: {  	s10 =	sld [smem:$0x3FB9]  }
0x39: {  	_ = 	snop;
	(pc) =	sbr.ind lr, $3  }
0x3a: {  	_ = 	snop  }
0x3b: {  	_ = 	snop  }
0x3c: {  	p2 =	seq.s32 s10, $0x1;
	s10 =	sld [smem:$0x3FB8]  }
0x3d: {  	_ =	shalt  }
0x3e: {  	_ =	shalt  }
0x3f: {  	_ =	shalt  }
0x40: {  	_ =	shalt  }
0x41: {  	_ =	shalt  }
0x42: {  	_ =	shalt  }
0x43: {  	_ =	shalt  }
0x44: {  	_ =	shalt  }
0x45: {  	_ =	shalt  }
0x46: {  	_ =	shalt  }
0x47: {  	_ =	shalt  }
0x48: {  	_ =	shalt  }
0x49: {  	_ =	shalt  }
0x4a: {  	_ =	shalt  }
0x4b: {  	_ =	shalt  }
0x4c: {  	_ =	shalt  }
0x4d: {  	_ =	shalt  }
0x4e: {  	_ =	shalt  }
0x4f: {  	_ =	shalt  }
0x50: {  	_ =	shalt  }
0x51: {  	_ =	shalt  }
0x52: {  	_ =	shalt  }
0x53: {  	_ =	shalt  }
0x54: {  	_ =	shalt  }
0x55: {  	_ =	shalt  }
0x56: {  	_ =	shalt  }
0x57: {  	_ =	shalt  }
0x58: {  	_ =	shalt  }
0x59: {  	_ =	shalt  }
0x5a: {  	_ =	shalt  }
0x5b: {  	_ =	shalt  }
0x5c: {  	_ =	shalt  }
0x5d: {  	_ =	shalt  }
0x5e: {  	_ =	shalt  }
0x5f: {  	_ =	shalt  }
0x60: {  	_ =	shalt  }
0x61: {  	_ =	shalt  }
0x62: {  	_ =	shalt  }
0x63: {  	_ =	shalt  }
0x64: {  	_ =	shalt  }
0x65: {  	_ =	shalt  }
0x66: {  	_ =	shalt  }
0x67: {  	_ =	shalt  }
0x68: {  	_ =	shalt  }
0x69: {  	_ =	shalt  }
0x6a: {  	_ =	shalt  }
0x6b: {  	_ =	shalt  }
0x6c: {  	_ =	shalt  }
0x6d: {  	_ =	shalt  }
0x6e: {  	_ =	shalt  }
0x6f: {  	_ =	shalt  }
0x70: {  	_ =	shalt  }
0x71: {  	_ =	shalt  }
0x72: {  	_ =	shalt  }
0x73: {  	_ =	shalt  }
0x74: {  	_ =	shalt  }
0x75: {  	_ =	shalt  }
0x76: {  	_ =	shalt  }
0x77: {  	_ =	shalt  }
0x78: {  	_ =	shalt  }
0x79: {  	_ =	shalt  }
0x7a: {  	_ =	shalt  }
0x7b: {  	_ =	shalt  }
0x7c: {  	_ =	shalt  }
0x7d: {  	_ =	shalt  }
0x7e: {  	_ =	shalt  }
0x7f: {  	_ =	shalt  }
0x80: {  	_ =	shalt  }
0x81: {  	_ =	shalt  }
0x82: {  	_ =	shalt  }
0x83: {  	_ =	shalt  }
0x84: {  	_ =	shalt  }
0x85: {  	_ =	shalt  }
0x86: {  	_ =	shalt  }
0x87: {  	_ =	shalt  }
.Lfunc_end0:
.L_simem_size_0:
called_computation_lowered:
.L_overlay_start_0:
0x88: {  	s2 =	sld [smem:$0x3FD9]  }
0x89: {  	s3 =	sld [smem:$0x3FFE];
	_ =	sdelay $0x1  }
0x8a: {  	s1 =	srdreg.scid  }
0x8b: {  	s0 =	sand.u32 $0x1, s1  }
0x8c: {  	s17 =	sshll.u32 s0, $0xA;
	s2 =	sadd.s32 s3, s2  }
0x8d: {  	s2 =	sadd.s32 s2, s17  }
0x8e: {  	[smem:$0x3FC4] =	sst s2  }
0x8f: {  	_ = 	snop  }
0x90: {  	s2 =	sld [smem:$0x3FC9]  }
0x91: {  	s18 =	sld [smem:$0x3FC8]  }
0x92: {  	s4 =	sld [smem:$0x3FC7]  }
0x93: {  	s5 =	sld [smem:$0x3FD0];
	(tm) =	ssettm $0x1  }
0x94: {  	s6 =	sld [smem:$0x3FFB];
	_ =	sdelay $0x3  }
0x95: {  	_ =	strace s6  }
0x96: {  	s6 =	sld [smem:$0x3FFC];
	_ =	sdelay $0x3  }
0x97: {  	_ =	strace s6  }
0x98: {  	s6 =	sld [smem:$0x3FFD];
	_ =	sdelay $0x3  }
0x99: {  	_ =	strace s6  }
0x9a: {  	_ =	strace $0x8FFFFFFF  }
0x9b: {  	s19 =	sld [smem:$0x3FDB];
	_ =	sdelay $0x1  }
0x9c: {  	s7 =	simm.s32 $_scs_section_size  }
0x9d: {  	s8 =	simm.s32 $_size__tile_overlayer_lowered;
	s9 =	simm.s32 $_tile_overlayer_lowered  }
0x9e: {  	s22 =	simm.s32 $0x1BFF;
	s21 =	sshll.u32 s9, $0x1;
	s6 =	sadd.s32 s7, s19  }
0x9f: {  	s10 =	simm.s32 $0x0;
	s20 =	sshll.u32 s8, $0x1;
	s8 =	sadd.s32 s21, s6  }
0xa0: {  	[timem:s10], [sflag:s22] =	dma.local [hbm:s8], s20  }
0xa1: {  	_ =	swait.ge [sflag:s22], s20  }
0xa2: {  	s7 =	ssub.s32 $0x0, s20;
	[sflag:s22] =	ssyncset.done $0x0  }
0xa3: {  	[sflag:s22] =	ssyncadd.s32 s7;
	_ =	sdelay $0x1  }
0xa4: {  	s23 =	simm.s32 $0x1B8B  }
0xa5: {  	_ =	swait.ge [sflag:s23], $0x1  }
0xa6: {  	[sflag:s23] =	ssyncset.done $0x0  }
0xa7: {  	s25 =	simm.s32 $0x1B8E;
	s24 =	sld [smem:$0x3FFE];
	[sflag:s23] =	ssyncadd.s32 $0xFFFFFFFF  }
0xa8: {  	s26 =	simm.s32 $execute0_lowered;
	[smem:$0x3FD2] =	sst s25  }
0xa9: {  	s8 =	sshll.u32 s26, $0x1;
	_ =	strace $0x80000046;
	[dreg:$0x1] =	wrdreg $0xFFFFFFFF  }
0xaa: {  	s28 =	simm.s32 $_size_execute0_lowered;
	s6 =	sadd.s32 s6, s8;
	[dreg:$0x0] =	wrdreg $0x0  }
0xab: {  	s8 =	sshll.u32 s28, $0x1;
	[dreg:$0x2] =	wrdreg s6  }
0xac: {  	[dreg:$0x3] =	wrdreg s8  }
0xad: {  	[dreg:$0x4] =	wrdreg $0xC0  }
0xae: {  	_ =	task [dreg:s10], $0x5FFFF  }
0xaf: {  	[dreg:$0x1] =	wrdreg $0xFFFFFFFF  }
0xb0: {  	[dreg:$0x0] =	wrdreg $0x60  }
0xb1: {  	[dreg:$0x2] =	wrdreg s2  }
0xb2: {  	[dreg:$0x3] =	wrdreg s18  }
0xb3: {  	[dreg:$0x4] =	wrdreg s4  }
0xb4: {  	[dreg:$0x5] =	wrdreg s24  }
0xb5: {  	[dreg:$0x6] =	wrdreg s5  }
0xb6: {  	[dreg:$0x7] =	wrdreg $0xCB000  }
0xb7: {  	[dreg:$0x8] =	wrdreg $0x1AB000  }
0xb8: {  	[dreg:$0x9] =	wrdreg $0x9  }
0xb9: {  	_ =	task.clear_ibuf [dreg:s10], $0xAFFFF;
	_ =	strace $0x90000046  }
0xba: {  	s29 =	simm.s32 $0x9;
	_ =	strace $0x80000048  }
0xbb: {  	_ =	swait.ge [sflag:s29], $0x1  }
0xbc: {  	[sflag:s29] =	ssyncadd.s32 $0xFFFFFFFF  }
0xbd: {  	_ =	strace $0x90000048  }
0xbe: {  	_ =	sfence  }
0xbf: {  	s30 =	sld [smem:$0x0];
	_ =	sdelay $0x2  }
0xc0: {  	s31 =	sshll.u32 s1, $0xD;
	s1 =	sshrl.u32 s1, $0x2  }
0xc1: {  	s3 =	sand.u32 $0x4000, s31;
	s1 =	sadd.s32 s1, s30  }
0xc2: {  	s0 =	sor.u32 s3, s0;
	s1 =	sshll.u32 s1, $0x11  }
0xc3: {  	s0 =	sor.u32 s1, s0  }
0xc4: {  	s0 =	sadd.s32 $0x8F2B, s0  }
0xc5: {  	[sflag:s0] =	ssyncadd.remote.s32 $0x1  }
0xc6: {  	_ =	sfence.sel $0xFFFF  }
0xc7: {  	[dreg:$0x0] =	wrdreg $0xFFFFFFFF;
	(pc) =	sbr.abs _section_cstart, $3  }
0xc8: {  	[dreg:$0x1] =	wrdreg $0xFFFFFFFF  }
0xc9: {  	_ =	task.clear_ibuf [dreg:s10], $0x2FFFF;
	_ =	strace $0x9FFFFFFF  }
0xca: {  	(tm) =	ssettm $0x7FFFFFFF  }
0xcb: {  	_ =	shalt  }
tec
execute0_lowered:
.L_overlay_start_1:
0x0: {  	(tag) =	ssettag $0x1  }
0x1: {  	s0 =	rddreg [dreg:$0x0]  }
0x2: {  	s4 =	rddreg [dreg:$0x1]  }
0x3: {  	s7 =	rddreg [dreg:$0x2]  }
0x4: {  	s8 =	rddreg [dreg:$0x3]  }
0x5: {  	s1 =	rddreg [dreg:$0x4]  }
0x6: {  	s2 =	rddreg [dreg:$0x5]  }
0x7: {  	s3 =	rddreg [dreg:$0x6]  }
0x8: {  	s5 =	simm.s32 $0x0;
	s6 =	srdreg.scid;
	s15 =	stileid.u32  }
0x9: {  	s30 =	simm.s32 $0x3;
	s31 =	simm.s32 $0x6400;
	s11 =	smul.u32 $0x320, s15  }
0xa: {  	[smem:$0x7FF] =	sst s5;
	s9 =	sand.u32 $0x1, s6;
	s13 =	smul.u32 $0x380, s15  }
0xb: {  	s6 =	sadd.s32 $0xF42A00, s8;
	s8 =	sadd.s32 $0x600, s8;
	s22 =	smul.u32 $0x38000, s15  }
0xc: {  	s29 =	sshll.u32 s15, $0x4;
	s15 =	simm.s32 $0xB100;
	_ =	strace $0x80000047  }
0xd: {  	s10 =	ssub.s32 $0x2, s9;
	[dreg:$0x8] =	wrdreg s8;
	s14 =	smul.u32 $0xFFFF9C00, s9  }
0xe: {  	s19 =	sshllo.u32 s9, $0x1;
	s18 =	sshrl.u32 s10, $0x1;
	s0 =	sadd.s32 s0, s11  }
0xf: {  	s20 =	sadd.s32 s4, s11;
	s17 =	smul.u32 $0xFFFFCE00, s19;
	s21 =	sadd.s32 s7, s11  }
0x10: {  	s11 =	sshll.u32 s9, $0x9;
	s12 =	sshll.u32 s19, $0x8;
	[dreg:$0x9] =	wrdreg s0  }
0x11: {  	s24 =	sadd.s32 $0x80, s13;
	s26 =	sadd.s32 $0x100, s13;
	[dreg:$0xa] =	wrdreg s20  }
0x12: {  	s19 =	sadd.s32 $0x200, s13;
	s8 =	ssub.s32 s10, s18;
	[dreg:$0xb] =	wrdreg s21  }
0x13: {  	s0 =	sshrl.u32 s22, $0x2;
	s25 =	sshll.u32 s24, $0x6;
	s9 =	sshll.u32 s26, $0x6  }
0x14: {  	s4 =	sadd.s32 s24, s3;
	s10 =	sadd.s32 $0x180, s13;
	s16 =	sadd.s32 s26, s3  }
0x15: {  	s20 =	sshll.u32 s19, $0x6;
	s21 =	sadd.s32 s19, s3;
	s22 =	sadd.s32 $0x280, s13  }
0x16: {  	s24 =	sadd.s32 $0x300, s13;
	v0 =	vmov s14;
	s14 =	simm.s32 $0x6380;
	[dreg:$0xf] =	wrdreg s4  }
0x17: {  	s19 =	simm.s32 $0x0;
	s23 =	smax.u32 s8, $0x1;
	[dreg:$0x11] =	wrdreg s16  }
0x18: {  	s0 =	sadd.s32 s0, s2;
	s7 =	sadd.s32 s25, s2;
	[dreg:$0x15] =	wrdreg s21  }
0x19: {  	s18 =	sshll.u32 s10, $0x6;
	s25 =	sshll.u32 s22, $0x6;
	[dreg:$0xc] =	wrdreg s23  }
0x1a: {  	s26 =	sshll.u32 s24, $0x6;
	s28 =	sadd.s32 s24, s3;
	[dreg:$0xd] =	wrdreg s0  }
0x1b: {  	s8 =	simm.s32 $0x1;
	[dreg:$0xe] =	wrdreg s7;
	s0 =	sadd.s32 s9, s2  }
0x1c: {  	s16 =	simm.s32 $0xCA00;
	s4 =	sadd.s32 s18, s2;
	[dreg:$0x10] =	wrdreg s0  }
0x1d: {  	v1 =	vmov s17;
	s17 =	simm.s32 $0xCA80;
	s23 =	sadd.s32 s13, s3;
	[dreg:$0x12] =	wrdreg s4  }
0x1e: {  	s7 =	sadd.s32 s25, s2;
	s9 =	simm.s32 $0x2;
	[dreg:$0x16] =	wrdreg s23  }
0x1f: {  	s13 =	simm.s32 $0x6300;
	s0 =	sadd.s32 s10, s3;
	[dreg:$0x17] =	wrdreg s7  }
0x20: {  	s18 =	simm.s32 $0xBD80;
	[dreg:$0x13] =	wrdreg s0;
	s0 =	sadd.s32 s20, s2  }
0x21: {  	s4 =	simm.s32 $0x80;
	[dreg:$0x14] =	wrdreg s0;
	s0 =	sadd.s32 s22, s3  }
0x22: {  	s7 =	simm.s32 $0x8400;
	[dreg:$0x18] =	wrdreg s0;
	s0 =	sadd.s32 s26, s2  }
0x23: {  	v2 =	vimm.f32 $0.0e+00;
	v3 =	vimm.f32 $1.000000000e+00;
	s10 =	simm.s32 $0x1880;
	[dreg:$0x19] =	wrdreg s0;
	s0 =	simm.s32 $0xA400  }
.LBB2_1:
0x24: {  	s21 =	simm.s32 $0x100;
	s20 =	simm.s32 $0x0  }
.LBB2_2:
0x25: {  	p0 =	sne.s32 s21, $0x7F00;
	[tilespmem:s20+$0x6430] =	vst v2;
	s22 =	smov.u32 s21;
	s21 =	sadd.s32 $0x100, s21  }
.Ltmp0:
0x26: {  	[tilespmem:s20+$0x6420] =	vst v2;
	(pc) =	sbr.rel @p0 .LBB2_2-.Ltmp0, $3  }
0x27: {  	[tilespmem:s20+$0x6400] =	vst v2  }
0x28: {  	[tilespmem:s20+$0x6410] =	vst v2;
	_ =	sdelay $0x1  }
0x29: {  	s20 =	sshra.s32 s22, $0x2  }
0x2a: {  	[tilespmem:s20+$0x6430] =	vst v2  }
0x2b: {  	[tilespmem:s20+$0x6420] =	vst v2  }
0x2c: {  	[tilespmem:s20+$0x6400] =	vst v2  }
0x2d: {  	[tilespmem:s20+$0x6410] =	vst v2  }
0x2e: {  	[tilespmem:$0xA400] =	vst v2  }
0x2f: {  	[tilespmem:$0xA410] =	vst v2  }
0x30: {  	[tilespmem:$0xA420] =	vst v2  }
0x31: {  	[tilespmem:$0xA430] =	vst v2  }
0x32: {  	[tilespmem:$0xA440] =	vst v2  }
0x33: {  	[tilespmem:$0xA450] =	vst v2  }
0x34: {  	[tilespmem:$0xA460] =	vst v2  }
0x35: {  	s20 =	simm.s32 $0x0;
	s21 =	rddreg [dreg:$0x9];
	[tilespmem:$0xA470] =	vst v2  }
0x36: {  	[tilespmem:s20], [sflag:$0x3] =	stream.linear.gather [hbm4b:s21+s20], $0x1900, $0x38;
	[tilespmem:$0x1AE80] =	vst v63  }
0x37: {  	_ =	swait.ge [sflag:s30], $0x1900  }
0x38: {  	[sflag:s30] =	ssyncset.done $0x0  }
0x39: {  	s22 =	simm.s32 $0x1900;
	s26 =	rddreg [dreg:$0xa];
	[sflag:s30] =	ssyncadd.s32 $0xFFFFE700  }
0x3a: {  	[tilespmem:s22], [sflag:$0x3] =	stream.linear.gather [hbm4b:s26+s20], $0x1900, $0x38;
	[tilespmem:$0x1AE80] =	vst v63  }
0x3b: {  	_ =	swait.ge [sflag:s30], $0x1900  }
0x3c: {  	[sflag:s30] =	ssyncset.done $0x0  }
0x3d: {  	s23 =	simm.s32 $0x3200;
	s22 =	rddreg [dreg:$0xb];
	[sflag:s30] =	ssyncadd.s32 $0xFFFFE700  }
0x3e: {  	[tilespmem:s23], [sflag:$0x3] =	stream.linear.gather [hbm4b:s22+s20], $0x1900, $0x38;
	[tilespmem:$0x1AE80] =	vst v63  }
0x3f: {  	_ =	swait.ge [sflag:s30], $0x1900  }
0x40: {  	[sflag:s30] =	ssyncset.done $0x0  }
0x41: {  	s25 =	simm.s32 $0xA480;
	s24 =	rddreg [dreg:$0x8];
	[sflag:s30] =	ssyncadd.s32 $0xFFFFE700  }
0x42: {  	[tilespmem:s25], [sflag:$0x3] =	stream.linear.gather [hbm4b:s24+s20], $0xC80, $0x38;
	[tilespmem:$0x1AE80] =	vst v63  }
0x43: {  	_ =	swait.ge [sflag:s30], $0xC80  }
0x44: {  	[sflag:s30] =	ssyncset.done $0x0  }
0x45: {  	s26 =	rddreg [dreg:$0xd];
	[sflag:s30] =	ssyncadd.s32 $0xFFFFF380  }
0x46: {  	[spmem:s26] =	stream.linear.scatter [tilespmem:s31], [sflag:$0x3], $0x2000, $0x38;
	[tilespmem:$0x1AE80] =	vst v63  }
0x47: {  	_ =	swait.ge [sflag:s30], $0x2000  }
0x48: {  	[sflag:s30] =	ssyncset.done $0x0  }
0x49: {  	s21 =	rddreg [dreg:$0x16];
	[sflag:s30] =	ssyncadd.s32 $0xFFFFE000  }
0x4a: {  	[spmem:s21] =	stream.linear.scatter [tilespmem:s0], [sflag:$0x3], $0x80, $0x38;
	[tilespmem:$0x1AE80] =	vst v63  }
0x4b: {  	_ =	swait.ge [sflag:s30], $0x80  }
0x4c: {  	[sflag:s30] =	ssyncset.done $0x0  }
0x4d: {  	s22 =	rddreg [dreg:$0xe];
	[sflag:s30] =	ssyncadd.s32 $0xFFFFFF80  }
0x4e: {  	[spmem:s22] =	stream.linear.scatter [tilespmem:s31], [sflag:$0x3], $0x2000, $0x38;
	[tilespmem:$0x1AE80] =	vst v63  }
0x4f: {  	_ =	swait.ge [sflag:s30], $0x2000  }
0x50: {  	[sflag:s30] =	ssyncset.done $0x0  }
0x51: {  	s23 =	rddreg [dreg:$0xf];
	[sflag:s30] =	ssyncadd.s32 $0xFFFFE000  }
0x52: {  	[spmem:s23] =	stream.linear.scatter [tilespmem:s0], [sflag:$0x3], $0x80, $0x38;
	[tilespmem:$0x1AE80] =	vst v63  }
0x53: {  	_ =	swait.ge [sflag:s30], $0x80  }
0x54: {  	[sflag:s30] =	ssyncset.done $0x0  }
0x55: {  	s24 =	rddreg [dreg:$0x10];
	[sflag:s30] =	ssyncadd.s32 $0xFFFFFF80  }
0x56: {  	[spmem:s24] =	stream.linear.scatter [tilespmem:s31], [sflag:$0x3], $0x2000, $0x38;
	[tilespmem:$0x1AE80] =	vst v63  }
0x57: {  	_ =	swait.ge [sflag:s30], $0x2000  }
0x58: {  	[sflag:s30] =	ssyncset.done $0x0  }
0x59: {  	s25 =	rddreg [dreg:$0x11];
	[sflag:s30] =	ssyncadd.s32 $0xFFFFE000  }
0x5a: {  	[spmem:s25] =	stream.linear.scatter [tilespmem:s0], [sflag:$0x3], $0x80, $0x38;
	[tilespmem:$0x1AE80] =	vst v63  }
0x5b: {  	_ =	swait.ge [sflag:s30], $0x80  }
0x5c: {  	[sflag:s30] =	ssyncset.done $0x0  }
0x5d: {  	s26 =	rddreg [dreg:$0x12];
	[sflag:s30] =	ssyncadd.s32 $0xFFFFFF80  }
0x5e: {  	[spmem:s26] =	stream.linear.scatter [tilespmem:s31], [sflag:$0x3], $0x2000, $0x38;
	[tilespmem:$0x1AE80] =	vst v63  }
0x5f: {  	_ =	swait.ge [sflag:s30], $0x2000  }
0x60: {  	[sflag:s30] =	ssyncset.done $0x0  }
0x61: {  	s21 =	rddreg [dreg:$0x13];
	[sflag:s30] =	ssyncadd.s32 $0xFFFFE000  }
0x62: {  	[spmem:s21] =	stream.linear.scatter [tilespmem:s0], [sflag:$0x3], $0x80, $0x38;
	[tilespmem:$0x1AE80] =	vst v63  }
0x63: {  	_ =	swait.ge [sflag:s30], $0x80  }
0x64: {  	[sflag:s30] =	ssyncset.done $0x0  }
0x65: {  	s22 =	rddreg [dreg:$0x14];
	[sflag:s30] =	ssyncadd.s32 $0xFFFFFF80  }
0x66: {  	[spmem:s22] =	stream.linear.scatter [tilespmem:s31], [sflag:$0x3], $0x2000, $0x38;
	[tilespmem:$0x1AE80] =	vst v63  }
0x67: {  	_ =	swait.ge [sflag:s30], $0x2000  }
0x68: {  	[sflag:s30] =	ssyncset.done $0x0  }
0x69: {  	s23 =	rddreg [dreg:$0x15];
	[sflag:s30] =	ssyncadd.s32 $0xFFFFE000  }
0x6a: {  	[spmem:s23] =	stream.linear.scatter [tilespmem:s0], [sflag:$0x3], $0x80, $0x38;
	[tilespmem:$0x1AE80] =	vst v63  }
0x6b: {  	_ =	swait.ge [sflag:s30], $0x80  }
0x6c: {  	[sflag:s30] =	ssyncset.done $0x0  }
0x6d: {  	s24 =	rddreg [dreg:$0x17];
	[sflag:s30] =	ssyncadd.s32 $0xFFFFFF80  }
0x6e: {  	[spmem:s24] =	stream.linear.scatter [tilespmem:s31], [sflag:$0x3], $0x2000, $0x38;
	[tilespmem:$0x1AE80] =	vst v63  }
0x6f: {  	_ =	swait.ge [sflag:s30], $0x2000  }
0x70: {  	[sflag:s30] =	ssyncset.done $0x0  }
0x71: {  	s25 =	rddreg [dreg:$0x18];
	[sflag:s30] =	ssyncadd.s32 $0xFFFFE000  }
0x72: {  	[spmem:s25] =	stream.linear.scatter [tilespmem:s0], [sflag:$0x3], $0x80, $0x38;
	[tilespmem:$0x1AE80] =	vst v63  }
0x73: {  	_ =	swait.ge [sflag:s30], $0x80  }
0x74: {  	[sflag:s30] =	ssyncset.done $0x0  }
0x75: {  	s26 =	rddreg [dreg:$0x19];
	[sflag:s30] =	ssyncadd.s32 $0xFFFFFF80  }
0x76: {  	[spmem:s26] =	stream.linear.scatter [tilespmem:s31], [sflag:$0x3], $0x2000, $0x38;
	[tilespmem:$0x1AE80] =	vst v63  }
0x77: {  	_ =	swait.ge [sflag:s30], $0x2000  }
0x78: {  	[sflag:s30] =	ssyncset.done $0x0  }
0x79: {  	[sflag:s30] =	ssyncadd.s32 $0xFFFFE000  }
0x7a: {  	[spmem:s28] =	stream.linear.scatter [tilespmem:s0], [sflag:$0x3], $0x80, $0x38;
	[tilespmem:$0x1AE80] =	vst v63  }
0x7b: {  	_ =	swait.ge [sflag:s30], $0x80  }
0x7c: {  	[sflag:s30] =	ssyncset.done $0x0  }
0x7d: {  	s20 =	simm.s32 $0x0;
	[sflag:s30] =	ssyncadd.s32 $0xFFFFFF80  }
0x7e: {  	v4 =	vld [tilespmem:s20+$0x1970]  }
0x7f: {  	v5 =	vld [tilespmem:s20+$0x3270]  }
0x80: {  	v6 =	vld [tilespmem:s20+$0x1900]  }
0x81: {  	v7 =	vld [tilespmem:s20+$0x1910]  }
0x82: {  	v8 =	vld [tilespmem:s20+$0x1920]  }
0x83: {  	v9 =	vld [tilespmem:s20+$0x1930]  }
0x84: {  	v15 =	vld [tilespmem:s20+$0x1940]  }
0x85: {  	v16 =	vld [tilespmem:s20+$0x1950]  }
0x86: {  	v18 =	vld [tilespmem:s20+$0x3200]  }
0x87: {  	v19 =	vld [tilespmem:s20+$0x3210]  }
0x88: {  	v17 =	vld [tilespmem:s20+$0x1960]  }
0x89: {  	v14 =	vld [tilespmem:s20+$0x3220];
	v4 =	vmul.u32 $0x32, v4;
	v5 =	vadd.s32 v0, v5  }
0x8a: {  	v12 =	vld [tilespmem:s20+$0x3230];
	v20 =	vmul.u32 $0x32, v6;
	v13 =	vmul.u32 $0x32, v7;
	v10 =	vmul.u32 $0x32, v8  }
0x8b: {  	v11 =	vld [tilespmem:s20+$0x3240];
	v7 =	vmul.u32 $0x32, v9;
	v6 =	vmul.u32 $0x32, v15;
	v4 =	vadd.s32 v4, v5  }
0x8c: {  	v9 =	vadd.s32 v0, v18;
	v8 =	vld [tilespmem:s20+$0x3250];
	v15 =	vadd.s32 v0, v19;
	v4 =	vmin.u32 v4, $0x3200  }
0x8d: {  	s21 =	simm.s32 $0x80;
	s22 =	simm.s32 $0x400;
	v5 =	vmul.u32 $0x32, v16;
	v16 =	vadd.s32 v20, v9;
	v9 =	vld [tilespmem:s20+$0x3260];
	[tilespmem:s20+$0x4B70] =	vst v4;
	v4 =	vmul.u32 $0x32, v17  }
.LBB2_4:
0x8e: {  	p0 =	sne.s32 s22, $0x6200;
	v17 =	vld [tilespmem:s21+$0x1970];
	v16 =	vmin.u32 v16, $0x3200;
	v13 =	vadd.s32 v13, v15;
	v14 =	vadd.s32 v0, v14  }
0x8f: {  	v15 =	vld [tilespmem:s21+$0x3270];
	[tilespmem:s20+$0x4B00] =	vst v16;
	v13 =	vmin.u32 v13, $0x3200;
	v10 =	vadd.s32 v10, v14;
	v12 =	vadd.s32 v0, v12  }
0x90: {  	v14 =	vld [tilespmem:s21+$0x1900];
	[tilespmem:s20+$0x4B10] =	vst v13;
	v10 =	vmin.u32 v10, $0x3200;
	v7 =	vadd.s32 v7, v12;
	v11 =	vadd.s32 v0, v11  }
0x91: {  	v12 =	vld [tilespmem:s21+$0x1910];
	[tilespmem:s20+$0x4B20] =	vst v10;
	v7 =	vmin.u32 v7, $0x3200;
	v6 =	vadd.s32 v6, v11;
	v8 =	vadd.s32 v0, v8  }
0x92: {  	v10 =	vld [tilespmem:s21+$0x1920];
	[tilespmem:s20+$0x4B30] =	vst v7;
	v6 =	vmin.u32 v6, $0x3200;
	v5 =	vadd.s32 v5, v8;
	v7 =	vadd.s32 v0, v9  }
0x93: {  	v8 =	vld [tilespmem:s21+$0x1930];
	v9 =	vmul.u32 $0x32, v17;
	[tilespmem:s20+$0x4B40] =	vst v6;
	v5 =	vmin.u32 v5, $0x3200;
	v4 =	vadd.s32 v4, v7  }
0x94: {  	v6 =	vld [tilespmem:s21+$0x1940];
	v7 =	vadd.s32 v0, v15;
	[tilespmem:s20+$0x4B50] =	vst v5;
	v4 =	vmin.u32 v4, $0x3200  }
0x95: {  	v15 =	vmul.u32 $0x32, v14;
	v5 =	vld [tilespmem:s21+$0x1950];
	v7 =	vadd.s32 v9, v7;
	[tilespmem:s20+$0x4B60] =	vst v4;
	s20 =	smov.u32 s21  }
0x96: {  	v13 =	vmul.u32 $0x32, v12;
	v4 =	vld [tilespmem:s20+$0x1960];
	v7 =	vmin.u32 v7, $0x3200  }
0x97: {  	v9 =	vld [tilespmem:s20+$0x3200];
	v10 =	vmul.u32 $0x32, v10;
	[tilespmem:s20+$0x4B70] =	vst v7  }
0x98: {  	v17 =	vld [tilespmem:s20+$0x3210];
	v7 =	vmul.u32 $0x32, v8  }
.Ltmp1:
0x99: {  	v14 =	vld [tilespmem:s20+$0x3220];
	v6 =	vmul.u32 $0x32, v6;
	(pc) =	sbr.rel @p0 .LBB2_4-.Ltmp1, $4  }
0x9a: {  	v12 =	vld [tilespmem:s20+$0x3230];
	v5 =	vmul.u32 $0x32, v5  }
0x9b: {  	v11 =	vld [tilespmem:s20+$0x3240];
	v4 =	vmul.u32 $0x32, v4  }
0x9c: {  	v9 =	vadd.s32 v0, v9;
	v8 =	vld [tilespmem:s20+$0x3250]  }
0x9d: {  	s21 =	sshra.s32 s22, $0x2;
	s22 =	sadd.s32 $0x200, s22;
	v16 =	vadd.s32 v15, v9;
	v15 =	vadd.s32 v0, v17;
	v9 =	vld [tilespmem:s20+$0x3260]  }
0x9e: {  	v17 =	vld [tilespmem:s21+$0x1970];
	v16 =	vmin.u32 v16, $0x3200;
	v13 =	vadd.s32 v13, v15;
	v14 =	vadd.s32 v0, v14  }
0x9f: {  	v18 =	vld [tilespmem:s21+$0x3270];
	[tilespmem:s20+$0x4B00] =	vst v16;
	v13 =	vmin.u32 v13, $0x3200;
	v10 =	vadd.s32 v10, v14;
	v12 =	vadd.s32 v0, v12  }
0xa0: {  	v44 =	vld [tilespmem:s21+$0x1900];
	[tilespmem:s20+$0x4B10] =	vst v13;
	v10 =	vmin.u32 v10, $0x3200;
	v7 =	vadd.s32 v7, v12;
	v45 =	vadd.s32 v0, v11  }
0xa1: {  	v13 =	vld [tilespmem:s21+$0x1910];
	[tilespmem:s20+$0x4B20] =	vst v10;
	v7 =	vmin.u32 v7, $0x3200;
	v6 =	vadd.s32 v6, v45;
	v47 =	vadd.s32 v0, v8  }
0xa2: {  	v46 =	vld [tilespmem:s21+$0x1920];
	[tilespmem:s20+$0x4B30] =	vst v7;
	v6 =	vmin.u32 v6, $0x3200;
	v5 =	vadd.s32 v5, v47;
	v49 =	vadd.s32 v0, v9  }
0xa3: {  	v48 =	vld [tilespmem:s21+$0x1930];
	[tilespmem:s20+$0x4B40] =	vst v6;
	v5 =	vmin.u32 v5, $0x3200;
	v4 =	vadd.s32 v4, v49  }
0xa4: {  	v50 =	vld [tilespmem:s21+$0x1940];
	[tilespmem:s20+$0x4B50] =	vst v5;
	v5 =	vmul.u32 $0x32, v17;
	v4 =	vmin.u32 v4, $0x3200  }
0xa5: {  	v52 =	vadd.s32 v0, v18;
	v51 =	vld [tilespmem:s21+$0x1950];
	[tilespmem:s20+$0x4B60] =	vst v4  }
0xa6: {  	v4 =	vadd.s32 v5, v52;
	v5 =	vld [tilespmem:s21+$0x1960]  }
0xa7: {  	v53 =	vld [tilespmem:s21+$0x3200];
	v4 =	vmin.u32 v4, $0x3200  }
0xa8: {  	[tilespmem:s21+$0x4B70] =	vst v4;
	v4 =	vld [tilespmem:s21+$0x3210]  }
0xa9: {  	v54 =	vld [tilespmem:s21+$0x3220]  }
0xaa: {  	v55 =	vmul.u32 $0x32, v44;
	v56 =	vld [tilespmem:s21+$0x3230]  }
0xab: {  	v13 =	vmul.u32 $0x32, v13;
	v57 =	vld [tilespmem:s21+$0x3240];
	v11 =	vmul.u32 $0x32, v46;
	v8 =	vmul.u32 $0x32, v48  }
0xac: {  	v16 =	vld [tilespmem:s21+$0x3250];
	v7 =	vmul.u32 $0x32, v50;
	v6 =	vmul.u32 $0x32, v51;
	v9 =	vadd.s32 v0, v53  }
0xad: {  	v58 =	vld [tilespmem:s21+$0x3260];
	v5 =	vmul.u32 $0x32, v5;
	v9 =	vadd.s32 v55, v9;
	v4 =	vadd.s32 v0, v4  }
0xae: {  	v10 =	vadd.s32 v0, v54;
	v9 =	vmin.u32 v9, $0x3200;
	v4 =	vadd.s32 v13, v4  }
0xaf: {  	v60 =	vadd.s32 v0, v56;
	v59 =	vadd.s32 v11, v10;
	[tilespmem:s21+$0x4B00] =	vst v9;
	v4 =	vmin.u32 v4, $0x3200  }
0xb0: {  	v61 =	vadd.s32 v0, v57;
	v8 =	vadd.s32 v8, v60;
	[tilespmem:s21+$0x4B10] =	vst v4;
	v4 =	vmin.u32 v59, $0x3200  }
0xb1: {  	v62 =	vadd.s32 v0, v16;
	v7 =	vadd.s32 v7, v61;
	[tilespmem:s21+$0x4B20] =	vst v4;
	v4 =	vmin.u32 v8, $0x3200  }
0xb2: {  	v63 =	vadd.s32 v0, v58;
	v6 =	vadd.s32 v6, v62;
	[tilespmem:s21+$0x4B30] =	vst v4;
	v4 =	vmin.u32 v7, $0x3200  }
0xb3: {  	v5 =	vadd.s32 v5, v63;
	[tilespmem:s21+$0x4B40] =	vst v4;
	v4 =	vmin.u32 v6, $0x3200  }
0xb4: {  	[tilespmem:s21+$0x4B50] =	vst v4;
	v4 =	vmin.u32 v5, $0x3200  }
0xb5: {  	[tilespmem:s21+$0x4B60] =	vst v4  }
0xb6: {  	[tilespmem:$0xA400] =	vst v3  }
0xb7: {  	[tilespmem:$0xA410] =	vst v3  }
0xb8: {  	[tilespmem:$0xA420] =	vst v3  }
0xb9: {  	[tilespmem:$0xA430] =	vst v3  }
0xba: {  	[tilespmem:$0xA440] =	vst v3  }
0xbb: {  	[tilespmem:$0xA450] =	vst v3  }
0xbc: {  	[tilespmem:$0xA460] =	vst v3  }
0xbd: {  	[tilespmem:$0xA470] =	vst v3  }
0xbe: {  	s22 =	simm.s32 $0x0;
	[bflag:$0x0] =	sbarrier.arrive $0xFFFF  }
0xbf: {  	[tilespmem:s31], [sflag:$0x1] =	stream.indirect.gather [hbm4b:s6+s4], $0x40, s22, s4, $0xb8;
	[tilespmem:$0x1AE80] =	vst v63  }
0xc0: {  	s23 =	simm.s32 $0x80  }
0xc1: {  	[tilespmem:s7], [sflag:$0x2] =	stream.indirect.gather [hbm4b:s6+s4], $0x40, s23, s4, $0xb8;
	[tilespmem:$0x1AE80] =	vst v63  }
0xc2: {  	_ =	swait.ge [sflag:s8], $0x2000  }
0xc3: {  	[sflag:s8] =	ssyncset.done $0x0  }
0xc4: {  	s24 =	simm.s32 $0x4B00;
	[sflag:s8] =	ssyncadd.s32 $0xFFFFE000  }
0xc5: {  	[spmem:s2] =	stream.indirect.scatter.add.f32 [tilespmem:s31], [sflag:$0x3], $0x40, s24, s4, $0xb8;
	[tilespmem:$0x1AE80] =	vst v63  }
0xc6: {  	_ =	swait.ge [sflag:s30], $0x2000  }
0xc7: {  	[sflag:s30] =	ssyncset.done $0x0  }
0xc8: {  	[sflag:s30] =	ssyncadd.s32 $0xFFFFE000  }
0xc9: {  	[spmem:s3] =	stream.indirect.scatter.add.f32 [tilespmem:s0], [sflag:$0x3], $0x1, s24, s4, $0xb8;
	[tilespmem:$0x1AE80] =	vst v63  }
0xca: {  	_ =	swait.ge [sflag:s30], $0x80  }
0xcb: {  	[sflag:s30] =	ssyncset.done $0x0  }
0xcc: {  	s25 =	simm.s32 $0x100;
	[sflag:s30] =	ssyncadd.s32 $0xFFFFFF80  }
0xcd: {  	[tilespmem:s31], [sflag:$0x1] =	stream.indirect.gather [hbm4b:s6+s4], $0x40, s25, s4, $0xb8;
	[tilespmem:$0x1AE80] =	vst v63  }
0xce: {  	_ =	swait.ge [sflag:s9], $0x2000  }
0xcf: {  	[sflag:s9] =	ssyncset.done $0x0  }
0xd0: {  	s26 =	simm.s32 $0x4B80;
	[sflag:s9] =	ssyncadd.s32 $0xFFFFE000  }
0xd1: {  	[spmem:s2] =	stream.indirect.scatter.add.f32 [tilespmem:s7], [sflag:$0x3], $0x40, s26, s4, $0xb8;
	[tilespmem:$0x1AE80] =	vst v63  }
0xd2: {  	_ =	swait.ge [sflag:s30], $0x2000  }
0xd3: {  	[sflag:s30] =	ssyncset.done $0x0  }
0xd4: {  	[sflag:s30] =	ssyncadd.s32 $0xFFFFE000  }
0xd5: {  	[spmem:s3] =	stream.indirect.scatter.add.f32 [tilespmem:s0], [sflag:$0x3], $0x1, s26, s4, $0xb8;
	[tilespmem:$0x1AE80] =	vst v63  }
0xd6: {  	_ =	swait.ge [sflag:s30], $0x80  }
0xd7: {  	s20 =	simm.s32 $0x100;
	s21 =	simm.s32 $0x800;
	[sflag:s30] =	ssyncset.done $0x0  }
.LBB2_6:
0xd8: {  	s22 =	sadd.s32 $0x80, s20  }
0xd9: {  	[sflag:s30] =	ssyncadd.s32 $0xFFFFFF80;
	s23 =	smov.u32 s21;
	s24 =	sadd.s32 $0x400, s21  }
0xda: {  	[tilespmem:s7], [sflag:$0x2] =	stream.indirect.gather [hbm4b:s6+s4], $0x40, s22, s4, $0xb8;
	[tilespmem:$0x1AE80] =	vst v63  }
0xdb: {  	p0 =	sne.s32 s21, $0x5C00;
	_ =	swait.ge [sflag:s8], $0x2000  }
0xdc: {  	[sflag:s8] =	ssyncset.done $0x0  }
0xdd: {  	s21 =	sadd.s32 $0x4B00, s20;
	[sflag:s8] =	ssyncadd.s32 $0xFFFFE000  }
0xde: {  	[spmem:s2] =	stream.indirect.scatter.add.f32 [tilespmem:s31], [sflag:$0x3], $0x40, s21, s4, $0xb8;
	[tilespmem:$0x1AE80] =	vst v63  }
0xdf: {  	_ =	swait.ge [sflag:s30], $0x2000  }
0xe0: {  	[sflag:s30] =	ssyncset.done $0x0  }
0xe1: {  	[sflag:s30] =	ssyncadd.s32 $0xFFFFE000  }
0xe2: {  	[spmem:s3] =	stream.indirect.scatter.add.f32 [tilespmem:s0], [sflag:$0x3], $0x1, s21, s4, $0xb8;
	[tilespmem:$0x1AE80] =	vst v63  }
0xe3: {  	_ =	swait.ge [sflag:s30], $0x80  }
0xe4: {  	[sflag:s30] =	ssyncset.done $0x0  }
0xe5: {  	s21 =	sadd.s32 $0x100, s20;
	[sflag:s30] =	ssyncadd.s32 $0xFFFFFF80  }
0xe6: {  	[tilespmem:s31], [sflag:$0x1] =	stream.indirect.gather [hbm4b:s6+s4], $0x40, s21, s4, $0xb8;
	[tilespmem:$0x1AE80] =	vst v63  }
0xe7: {  	_ =	swait.ge [sflag:s9], $0x2000  }
0xe8: {  	[sflag:s9] =	ssyncset.done $0x0  }
0xe9: {  	s20 =	sadd.s32 $0x4B80, s20;
	[sflag:s9] =	ssyncadd.s32 $0xFFFFE000  }
0xea: {  	[spmem:s2] =	stream.indirect.scatter.add.f32 [tilespmem:s7], [sflag:$0x3], $0x40, s20, s4, $0xb8;
	[tilespmem:$0x1AE80] =	vst v63  }
0xeb: {  	_ =	swait.ge [sflag:s30], $0x2000  }
.Ltmp2:
0xec: {  	[sflag:s30] =	ssyncset.done $0x0;
	(pc) =	sbr.rel @p0 .LBB2_6-.Ltmp2, $4  }
0xed: {  	[sflag:s30] =	ssyncadd.s32 $0xFFFFE000  }
0xee: {  	[spmem:s3] =	stream.indirect.scatter.add.f32 [tilespmem:s0], [sflag:$0x3], $0x1, s20, s4, $0xb8;
	[tilespmem:$0x1AE80] =	vst v63  }
0xef: {  	_ =	swait.ge [sflag:s30], $0x80  }
0xf0: {  	s21 =	smov.u32 s24;
	s20 =	sshra.s32 s23, $0x2;
	[sflag:s30] =	ssyncset.done $0x0  }
0xf1: {  	s21 =	sadd.s32 $0x80, s20;
	[sflag:s30] =	ssyncadd.s32 $0xFFFFFF80  }
0xf2: {  	[tilespmem:s7], [sflag:$0x2] =	stream.indirect.gather [hbm4b:s6+s4], $0x40, s21, s4, $0xb8;
	[tilespmem:$0x1AE80] =	vst v63  }
0xf3: {  	_ =	swait.ge [sflag:s8], $0x2000  }
0xf4: {  	[sflag:s8] =	ssyncset.done $0x0  }
0xf5: {  	s24 =	sadd.s32 $0x4B00, s20;
	[sflag:s8] =	ssyncadd.s32 $0xFFFFE000  }
0xf6: {  	[spmem:s2] =	stream.indirect.scatter.add.f32 [tilespmem:s31], [sflag:$0x3], $0x40, s24, s4, $0xb8;
	[tilespmem:$0x1AE80] =	vst v63  }
0xf7: {  	_ =	swait.ge [sflag:s30], $0x2000  }
0xf8: {  	[sflag:s30] =	ssyncset.done $0x0  }
0xf9: {  	[sflag:s30] =	ssyncadd.s32 $0xFFFFE000  }
0xfa: {  	[spmem:s3] =	stream.indirect.scatter.add.f32 [tilespmem:s0], [sflag:$0x3], $0x1, s24, s4, $0xb8;
	[tilespmem:$0x1AE80] =	vst v63  }
0xfb: {  	_ =	swait.ge [sflag:s30], $0x80  }
0xfc: {  	[sflag:s30] =	ssyncset.done $0x0  }
0xfd: {  	s25 =	sadd.s32 $0x100, s20;
	[sflag:s30] =	ssyncadd.s32 $0xFFFFFF80  }
0xfe: {  	[tilespmem:s31], [sflag:$0x1] =	stream.indirect.gather [hbm4b:s6+s4], $0x40, s25, s4, $0xb8;
	[tilespmem:$0x1AE80] =	vst v63  }
0xff: {  	_ =	swait.ge [sflag:s9], $0x2000  }
0x100: {  	[sflag:s9] =	ssyncset.done $0x0  }
0x101: {  	s26 =	sadd.s32 $0x4B80, s20;
	[sflag:s9] =	ssyncadd.s32 $0xFFFFE000  }
0x102: {  	[spmem:s2] =	stream.indirect.scatter.add.f32 [tilespmem:s7], [sflag:$0x3], $0x40, s26, s4, $0xb8;
	[tilespmem:$0x1AE80] =	vst v63  }
0x103: {  	_ =	swait.ge [sflag:s30], $0x2000  }
0x104: {  	[sflag:s30] =	ssyncset.done $0x0  }
0x105: {  	[sflag:s30] =	ssyncadd.s32 $0xFFFFE000  }
0x106: {  	[spmem:s3] =	stream.indirect.scatter.add.f32 [tilespmem:s0], [sflag:$0x3], $0x1, s26, s4, $0xb8;
	[tilespmem:$0x1AE80] =	vst v63  }
0x107: {  	_ =	swait.ge [sflag:s30], $0x80  }
0x108: {  	[sflag:s30] =	ssyncset.done $0x0  }
0x109: {  	[sflag:s30] =	ssyncadd.s32 $0xFFFFFF80  }
0x10a: {  	[tilespmem:s7], [sflag:$0x2] =	stream.indirect.gather [hbm4b:s6+s4], $0x40, s10, s4, $0xb8;
	[tilespmem:$0x1AE80] =	vst v63  }
0x10b: {  	_ =	swait.ge [sflag:s8], $0x2000  }
0x10c: {  	[sflag:s8] =	ssyncset.done $0x0  }
0x10d: {  	[sflag:s8] =	ssyncadd.s32 $0xFFFFE000  }
0x10e: {  	[spmem:s2] =	stream.indirect.scatter.add.f32 [tilespmem:s31], [sflag:$0x3], $0x40, s13, s4, $0xb8;
	[tilespmem:$0x1AE80] =	vst v63  }
0x10f: {  	_ =	swait.ge [sflag:s30], $0x2000  }
0x110: {  	[sflag:s30] =	ssyncset.done $0x0  }
0x111: {  	[sflag:s30] =	ssyncadd.s32 $0xFFFFE000  }
0x112: {  	[spmem:s3] =	stream.indirect.scatter.add.f32 [tilespmem:s0], [sflag:$0x3], $0x1, s13, s4, $0xb8;
	[tilespmem:$0x1AE80] =	vst v63  }
0x113: {  	_ =	swait.ge [sflag:s30], $0x80  }
0x114: {  	[sflag:s30] =	ssyncset.done $0x0  }
0x115: {  	[sflag:s30] =	ssyncadd.s32 $0xFFFFFF80  }
0x116: {  	[tilespmem:s31], [sflag:$0x1] =	stream.indirect.gather [hbm4b:s6+s4], $0x40, s10, s4, $0xb8;
	[tilespmem:$0x1AE80] =	vst v63  }
0x117: {  	_ =	swait.ge [sflag:s9], $0x2000  }
0x118: {  	[sflag:s9] =	ssyncset.done $0x0  }
0x119: {  	[sflag:s9] =	ssyncadd.s32 $0xFFFFE000  }
0x11a: {  	[spmem:s2] =	stream.indirect.scatter.add.f32 [tilespmem:s7], [sflag:$0x3], $0x40, s14, s4, $0xb8;
	[tilespmem:$0x1AE80] =	vst v63  }
0x11b: {  	_ =	swait.ge [sflag:s30], $0x2000  }
0x11c: {  	[sflag:s30] =	ssyncset.done $0x0  }
0x11d: {  	[sflag:s30] =	ssyncadd.s32 $0xFFFFE000  }
0x11e: {  	[spmem:s3] =	stream.indirect.scatter.add.f32 [tilespmem:s0], [sflag:$0x3], $0x1, s14, s4, $0xb8;
	[tilespmem:$0x1AE80] =	vst v63  }
0x11f: {  	_ =	swait.ge [sflag:s30], $0x80  }
0x120: {  	[sflag:s30] =	ssyncset.done $0x0  }
0x121: {  	[sflag:s30] =	ssyncadd.s32 $0xFFFFFF80  }
0x122: {  	_ =	swait.ge [sflag:s8], $0x2000  }
0x123: {  	[sflag:s8] =	ssyncset.done $0x0  }
0x124: {  	[sflag:s8] =	ssyncadd.s32 $0xFFFFE000  }
0x125: {  	s20 =	simm.s32 $0x0;
	s21 =	simm.s32 $0x0;
	[bflag:$0x0] =	sbarrier.arrive $0xFFFF  }
.LBB2_8:
0x126: {  	s22 =	sadd.s32 s29, s21  }
0x127: {  	s23 =	smul.u32 $0x3200, s22;
	_ =	sdelay $0x1  }
0x128: {  	s23 =	sshra.s32 s23, $0x2  }
0x129: {  	s24 =	smul.u32 $0x32, s22;
	s23 =	sadd.s32 s23, s2  }
0x12a: {  	[tilespmem:s15], [sflag:$0x3] =	stream.linear.gather [spmem:s23], $0xC80, $0x38;
	[tilespmem:$0x1AE80] =	vst v63  }
0x12b: {  	_ =	swait.ge [sflag:s30], $0xC80  }
0x12c: {  	s25 =	sand.u32 $0x3FF8, s24;
	[sflag:s30] =	ssyncset.done $0x0  }
0x12d: {  	s23 =	sadd.s32 s25, s3;
	[sflag:s30] =	ssyncadd.s32 $0xFFFFF380  }
0x12e: {  	[tilespmem:s16], [sflag:$0x3] =	stream.linear.gather [spmem:s23], $0x80, $0x38;
	[tilespmem:$0x1AE80] =	vst v63  }
0x12f: {  	_ =	swait.ge [sflag:s30], $0x80  }
0x130: {  	[sflag:s30] =	ssyncset.done $0x0  }
0x131: {  	[sflag:s30] =	ssyncadd.s32 $0xFFFFFF80  }
0x132: {  	v4 =	vld [tilespmem:$0xCA00]  }
0x133: {  	v5 =	vld [tilespmem:$0xCA10]  }
0x134: {  	v6 =	vld [tilespmem:$0xCA20]  }
0x135: {  	v7 =	vld [tilespmem:$0xCA30]  }
0x136: {  	v8 =	vld [tilespmem:$0xCA40]  }
0x137: {  	v9 =	vld [tilespmem:$0xCA50];
	(erf) = vrcp.f32 v4  }
0x138: {  	v10 =	vld [tilespmem:$0xCA60];
	(erf) = vrcp.f32 v5  }
0x139: {  	v11 =	vld [tilespmem:$0xCA70];
	(erf) = vrcp.f32 v6  }
0x13a: {  	(erf) = vrcp.f32 v7  }
0x13b: {  	(erf) = vrcp.f32 v8  }
0x13c: {  	(erf) = vrcp.f32 v9  }
0x13d: {  	(erf) = vrcp.f32 v10  }
0x13e: {  	(erf) = vrcp.f32 v11;
	_ =	sdelay $0x1  }
0x13f: {  	vm0 =	vgt.f32 v4, $0.0e+00;
	v12 =	vpop (erf)  }
0x140: {  	vm9 =	vgt.f32 v5, $0.0e+00;
	v4 =	vpop (erf);
	v12 =	vnsel vm0, $0x0, v12  }
0x141: {  	vm10 =	vgt.f32 v6, $0.0e+00;
	v5 =	vpop (erf);
	[tilespmem:$0xCA80] =	vst v12;
	v4 =	vnsel vm9, $0x0, v4  }
0x142: {  	vm11 =	vgt.f32 v7, $0.0e+00;
	v6 =	vpop (erf);
	[tilespmem:$0xCA90] =	vst v4;
	v4 =	vnsel vm10, $0x0, v5  }
0x143: {  	vm12 =	vgt.f32 v8, $0.0e+00;
	v5 =	vpop (erf);
	[tilespmem:$0xCAA0] =	vst v4;
	v4 =	vnsel vm11, $0x0, v6  }
0x144: {  	s26 =	sand.u32 $0x3, s20;
	vm13 =	vgt.f32 v9, $0.0e+00;
	v6 =	vpop (erf);
	[tilespmem:$0xCAB0] =	vst v4;
	v4 =	vnsel vm12, $0x0, v5  }
0x145: {  	s23 =	sshll.u32 s26, $0x1;
	vm14 =	vgt.f32 v10, $0.0e+00;
	v5 =	vpop (erf);
	[tilespmem:$0xCAC0] =	vst v4;
	v4 =	vnsel vm13, $0x0, v6  }
0x146: {  	vm15 =	vgt.f32 v11, $0.0e+00;
	v6 =	vmov s23;
	[tilespmem:$0xCAD0] =	vst v4;
	v4 =	vnsel vm14, $0x0, v5;
	v5 =	vpop (erf)  }
0x147: {  	[tilespmem:$0xCAE0] =	vst v4;
	v4 =	vnsel vm15, $0x0, v5  }
0x148: {  	s26 =	simm.s32 $0x0;
	[tilespmem:$0xCAF0] =	vst v4  }
0x149: {  	v4 =	vld [tilespmem:s26+$0xA480]  }
0x14a: {  	v5 =	vld [tilespmem:s26+$0xB100]  }
0x14b: {  	v6 =	vld.idx.msk [tilespmem:v6+s17+$0x0], $0xffff;
	_ =	sdelay $0x4  }
0x14c: {  	v5 =	vmul.f32 v5, v6;
	_ =	sdelay $0x1  }
0x14d: {  	[tilespmem:v4+s18+$0x0] =	vst.idx.msk $0xffff, v5  }
0x14e: {  	v4 =	vld [tilespmem:s26+$0xA490]  }
0x14f: {  	v5 =	vld [tilespmem:s26+$0xB110];
	_ =	sdelay $0x4  }
0x150: {  	v5 =	vmul.f32 v5, v6;
	_ =	sdelay $0x1  }
0x151: {  	[tilespmem:v4+s18+$0x0] =	vst.idx.msk $0xffff, v5  }
0x152: {  	v4 =	vld [tilespmem:s26+$0xA4A0]  }
0x153: {  	v5 =	vld [tilespmem:s26+$0xB120];
	_ =	sdelay $0x4  }
0x154: {  	v5 =	vmul.f32 v5, v6;
	_ =	sdelay $0x1  }
0x155: {  	[tilespmem:v4+s18+$0x0] =	vst.idx.msk $0xffff, v5  }
0x156: {  	v4 =	vld [tilespmem:s26+$0xA4B0]  }
0x157: {  	v7 =	vld [tilespmem:s26+$0xB130];
	_ =	sdelay $0x2  }
0x158: {  	s24 =	sadd.s32 $0x1, s23  }
0x159: {  	v5 =	vmov s24  }
0x15a: {  	s25 =	simm.s32 $0x200;
	s23 =	simm.s32 $0x40;
	v6 =	vmul.f32 v7, v6  }
.LBB2_9:
0x15b: {  	_ = 	snop  }
0x15c: {  	s26 =	sshra.s32 s25, $0x2;
	p0 =	sne.s32 s25, $0x3100;
	s25 =	sadd.s32 $0x100, s25;
	[tilespmem:v4+s18+$0x0] =	vst.idx.msk $0xffff, v6  }
0x15d: {  	v4 =	vld [tilespmem:s23+$0xA480]  }
0x15e: {  	v6 =	vld.idx.msk [tilespmem:v5+s17+$0x0], $0xffff  }
0x15f: {  	v5 =	vld [tilespmem:s23+$0xB100];
	_ =	sdelay $0x4  }
0x160: {  	v5 =	vmul.f32 v5, v6;
	_ =	sdelay $0x1  }
0x161: {  	[tilespmem:v4+s18+$0x0] =	vst.idx.msk $0xffff, v5  }
0x162: {  	v4 =	vld [tilespmem:s23+$0xA490]  }
0x163: {  	v5 =	vld [tilespmem:s23+$0xB110];
	_ =	sdelay $0x4  }
0x164: {  	v5 =	vmul.f32 v5, v6;
	_ =	sdelay $0x1  }
0x165: {  	[tilespmem:v4+s18+$0x0] =	vst.idx.msk $0xffff, v5  }
0x166: {  	v4 =	vld [tilespmem:s23+$0xA4A0]  }
0x167: {  	v5 =	vld [tilespmem:s23+$0xB120];
	_ =	sdelay $0x4  }
0x168: {  	v5 =	vmul.f32 v5, v6;
	_ =	sdelay $0x1  }
0x169: {  	[tilespmem:v4+s18+$0x0] =	vst.idx.msk $0xffff, v5  }
0x16a: {  	v4 =	vld [tilespmem:s23+$0xA4B0]  }
0x16b: {  	v7 =	vld [tilespmem:s23+$0xB130];
	s23 =	smov.u32 s26  }
.Ltmp3:
0x16c: {  	(pc) =	sbr.rel @p0 .LBB2_9-.Ltmp3, $4  }
0x16d: {  	_ = 	snop  }
0x16e: {  	s24 =	sadd.s32 $0x1, s24  }
0x16f: {  	v5 =	vmov s24  }
0x170: {  	v6 =	vmul.f32 v7, v6  }
0x171: {  	_ =	sdelay $0x3  }
0x172: {  	[tilespmem:v4+s18+$0x0] =	vst.idx.msk $0xffff, v6  }
0x173: {  	v4 =	vld [tilespmem:s23+$0xA480]  }
0x174: {  	v5 =	vld.idx.msk [tilespmem:v5+s17+$0x0], $0xffff  }
0x175: {  	v6 =	vld [tilespmem:s23+$0xB100];
	_ =	sdelay $0x4  }
0x176: {  	v6 =	vmul.f32 v6, v5;
	_ =	sdelay $0x1  }
0x177: {  	[tilespmem:v4+s18+$0x0] =	vst.idx.msk $0xffff, v6  }
0x178: {  	v4 =	vld [tilespmem:s23+$0xA490]  }
0x179: {  	v6 =	vld [tilespmem:s23+$0xB110];
	_ =	sdelay $0x4  }
0x17a: {  	v6 =	vmul.f32 v6, v5;
	_ =	sdelay $0x1  }
0x17b: {  	[tilespmem:v4+s18+$0x0] =	vst.idx.msk $0xffff, v6  }
0x17c: {  	v4 =	vld [tilespmem:s23+$0xA4A0]  }
0x17d: {  	v6 =	vld [tilespmem:s23+$0xB120];
	_ =	sdelay $0x4  }
0x17e: {  	v6 =	vmul.f32 v6, v5;
	_ =	sdelay $0x1  }
0x17f: {  	[tilespmem:v4+s18+$0x0] =	vst.idx.msk $0xffff, v6  }
0x180: {  	v4 =	vld [tilespmem:s23+$0xA4B0]  }
0x181: {  	v6 =	vld [tilespmem:s23+$0xB130];
	_ =	sdelay $0x3  }
0x182: {  	s22 =	sadd.s32 s11, s22  }
0x183: {  	s21 =	sadd.s32 $0x1, s21;
	s22 =	smul.u32 $0x190, s22;
	v5 =	vmul.f32 v6, v5  }
0x184: {  	p0 =	sne.s32 s21, $0x10  }
.Ltmp4:
0x185: {  	s22 =	sadd.s32 s1, s22;
	[tilespmem:v4+s18+$0x0] =	vst.idx.msk $0xffff, v5;
	(pc) =	sbr.rel @p0 .LBB2_8-.Ltmp4, $4  }
0x186: {  	[hbm4b:s22+s5] =	stream.linear.scatter [tilespmem:s18], [sflag:$0x3], $0xC80, $0x38;
	[tilespmem:$0x1AE80] =	vst v63  }
0x187: {  	_ =	swait.ge [sflag:s30], $0xC80  }
0x188: {  	[sflag:s30] =	ssyncset.done $0x0  }
0x189: {  	s20 =	sadd.s32 $0x1, s20;
	[sflag:s30] =	ssyncadd.s32 $0xFFFFF380  }
0x18a: {  	[tilespmem:$0xA400] =	vst v2  }
0x18b: {  	[tilespmem:$0xA410] =	vst v2  }
0x18c: {  	[tilespmem:$0xA420] =	vst v2  }
0x18d: {  	[tilespmem:$0xA430] =	vst v2  }
0x18e: {  	[tilespmem:$0xA440] =	vst v2  }
0x18f: {  	[tilespmem:$0xA450] =	vst v2  }
0x190: {  	[tilespmem:$0xA460] =	vst v2  }
0x191: {  	[tilespmem:$0xA470] =	vst v2;
	s21 =	simm.s32 $0x100;
	s20 =	simm.s32 $0x0  }
.LBB2_12:
0x192: {  	p0 =	sne.s32 s21, $0x7F00;
	[tilespmem:s20+$0x6430] =	vst v2;
	s22 =	smov.u32 s21;
	s21 =	sadd.s32 $0x100, s21  }
.Ltmp5:
0x193: {  	[tilespmem:s20+$0x6420] =	vst v2;
	(pc) =	sbr.rel @p0 .LBB2_12-.Ltmp5, $3  }
0x194: {  	[tilespmem:s20+$0x6400] =	vst v2  }
0x195: {  	[tilespmem:s20+$0x6410] =	vst v2;
	_ =	sdelay $0x1  }
0x196: {  	s20 =	sshra.s32 s22, $0x2  }
0x197: {  	[tilespmem:s20+$0x6430] =	vst v2  }
0x198: {  	[tilespmem:s20+$0x6420] =	vst v2  }
0x199: {  	[tilespmem:s20+$0x6400] =	vst v2  }
0x19a: {  	[tilespmem:s20+$0x6410] =	vst v2  }
0x19b: {  	[bflag:$0x0] =	sbarrier.arrive $0xFFFF  }
0x19c: {  	s26 =	rddreg [dreg:$0xd]  }
0x19d: {  	[spmem:s26] =	stream.linear.scatter [tilespmem:s31], [sflag:$0x3], $0x2000, $0x38;
	[tilespmem:$0x1AE80] =	vst v63  }
0x19e: {  	_ =	swait.ge [sflag:s30], $0x2000  }
0x19f: {  	[sflag:s30] =	ssyncset.done $0x0  }
0x1a0: {  	s21 =	rddreg [dreg:$0x16];
	[sflag:s30] =	ssyncadd.s32 $0xFFFFE000  }
0x1a1: {  	[spmem:s21] =	stream.linear.scatter [tilespmem:s0], [sflag:$0x3], $0x80, $0x38;
	[tilespmem:$0x1AE80] =	vst v63  }
0x1a2: {  	_ =	swait.ge [sflag:s30], $0x80  }
0x1a3: {  	[sflag:s30] =	ssyncset.done $0x0  }
0x1a4: {  	s22 =	rddreg [dreg:$0xe];
	[sflag:s30] =	ssyncadd.s32 $0xFFFFFF80  }
0x1a5: {  	[spmem:s22] =	stream.linear.scatter [tilespmem:s31], [sflag:$0x3], $0x2000, $0x38;
	[tilespmem:$0x1AE80] =	vst v63  }
0x1a6: {  	_ =	swait.ge [sflag:s30], $0x2000  }
0x1a7: {  	[sflag:s30] =	ssyncset.done $0x0  }
0x1a8: {  	s23 =	rddreg [dreg:$0xf];
	[sflag:s30] =	ssyncadd.s32 $0xFFFFE000  }
0x1a9: {  	[spmem:s23] =	stream.linear.scatter [tilespmem:s0], [sflag:$0x3], $0x80, $0x38;
	[tilespmem:$0x1AE80] =	vst v63  }
0x1aa: {  	_ =	swait.ge [sflag:s30], $0x80  }
0x1ab: {  	[sflag:s30] =	ssyncset.done $0x0  }
0x1ac: {  	s24 =	rddreg [dreg:$0x10];
	[sflag:s30] =	ssyncadd.s32 $0xFFFFFF80  }
0x1ad: {  	[spmem:s24] =	stream.linear.scatter [tilespmem:s31], [sflag:$0x3], $0x2000, $0x38;
	[tilespmem:$0x1AE80] =	vst v63  }
0x1ae: {  	_ =	swait.ge [sflag:s30], $0x2000  }
0x1af: {  	[sflag:s30] =	ssyncset.done $0x0  }
0x1b0: {  	s25 =	rddreg [dreg:$0x11];
	[sflag:s30] =	ssyncadd.s32 $0xFFFFE000  }
0x1b1: {  	[spmem:s25] =	stream.linear.scatter [tilespmem:s0], [sflag:$0x3], $0x80, $0x38;
	[tilespmem:$0x1AE80] =	vst v63  }
0x1b2: {  	_ =	swait.ge [sflag:s30], $0x80  }
0x1b3: {  	[sflag:s30] =	ssyncset.done $0x0  }
0x1b4: {  	s26 =	rddreg [dreg:$0x12];
	[sflag:s30] =	ssyncadd.s32 $0xFFFFFF80  }
0x1b5: {  	[spmem:s26] =	stream.linear.scatter [tilespmem:s31], [sflag:$0x3], $0x2000, $0x38;
	[tilespmem:$0x1AE80] =	vst v63  }
0x1b6: {  	_ =	swait.ge [sflag:s30], $0x2000  }
0x1b7: {  	[sflag:s30] =	ssyncset.done $0x0  }
0x1b8: {  	s21 =	rddreg [dreg:$0x13];
	[sflag:s30] =	ssyncadd.s32 $0xFFFFE000  }
0x1b9: {  	[spmem:s21] =	stream.linear.scatter [tilespmem:s0], [sflag:$0x3], $0x80, $0x38;
	[tilespmem:$0x1AE80] =	vst v63  }
0x1ba: {  	_ =	swait.ge [sflag:s30], $0x80  }
0x1bb: {  	[sflag:s30] =	ssyncset.done $0x0  }
0x1bc: {  	s22 =	rddreg [dreg:$0x14];
	[sflag:s30] =	ssyncadd.s32 $0xFFFFFF80  }
0x1bd: {  	[spmem:s22] =	stream.linear.scatter [tilespmem:s31], [sflag:$0x3], $0x2000, $0x38;
	[tilespmem:$0x1AE80] =	vst v63  }
0x1be: {  	_ =	swait.ge [sflag:s30], $0x2000  }
0x1bf: {  	[sflag:s30] =	ssyncset.done $0x0  }
0x1c0: {  	s23 =	rddreg [dreg:$0x15];
	[sflag:s30] =	ssyncadd.s32 $0xFFFFE000  }
0x1c1: {  	[spmem:s23] =	stream.linear.scatter [tilespmem:s0], [sflag:$0x3], $0x80, $0x38;
	[tilespmem:$0x1AE80] =	vst v63  }
0x1c2: {  	_ =	swait.ge [sflag:s30], $0x80  }
0x1c3: {  	[sflag:s30] =	ssyncset.done $0x0  }
0x1c4: {  	s24 =	rddreg [dreg:$0x17];
	[sflag:s30] =	ssyncadd.s32 $0xFFFFFF80  }
0x1c5: {  	[spmem:s24] =	stream.linear.scatter [tilespmem:s31], [sflag:$0x3], $0x2000, $0x38;
	[tilespmem:$0x1AE80] =	vst v63  }
0x1c6: {  	_ =	swait.ge [sflag:s30], $0x2000  }
0x1c7: {  	[sflag:s30] =	ssyncset.done $0x0  }
0x1c8: {  	s25 =	rddreg [dreg:$0x18];
	[sflag:s30] =	ssyncadd.s32 $0xFFFFE000  }
0x1c9: {  	[spmem:s25] =	stream.linear.scatter [tilespmem:s0], [sflag:$0x3], $0x80, $0x38;
	[tilespmem:$0x1AE80] =	vst v63  }
0x1ca: {  	_ =	swait.ge [sflag:s30], $0x80  }
0x1cb: {  	[sflag:s30] =	ssyncset.done $0x0  }
0x1cc: {  	s26 =	rddreg [dreg:$0x19];
	[sflag:s30] =	ssyncadd.s32 $0xFFFFFF80  }
0x1cd: {  	[spmem:s26] =	stream.linear.scatter [tilespmem:s31], [sflag:$0x3], $0x2000, $0x38;
	[tilespmem:$0x1AE80] =	vst v63  }
0x1ce: {  	_ =	swait.ge [sflag:s30], $0x2000  }
0x1cf: {  	[sflag:s30] =	ssyncset.done $0x0  }
0x1d0: {  	[sflag:s30] =	ssyncadd.s32 $0xFFFFE000  }
0x1d1: {  	[spmem:s28] =	stream.linear.scatter [tilespmem:s0], [sflag:$0x3], $0x80, $0x38;
	[tilespmem:$0x1AE80] =	vst v63  }
0x1d2: {  	_ =	swait.ge [sflag:s30], $0x80  }
0x1d3: {  	[sflag:s30] =	ssyncset.done $0x0  }
0x1d4: {  	s20 =	simm.s32 $0x0;
	[sflag:s30] =	ssyncadd.s32 $0xFFFFFF80  }
0x1d5: {  	v4 =	vld [tilespmem:s20+$0x1970]  }
0x1d6: {  	v5 =	vld [tilespmem:s20+$0x3270]  }
0x1d7: {  	v6 =	vld [tilespmem:s20+$0x1900]  }
0x1d8: {  	v7 =	vld [tilespmem:s20+$0x1910]  }
0x1d9: {  	v8 =	vld [tilespmem:s20+$0x1920]  }
0x1da: {  	v9 =	vld [tilespmem:s20+$0x1930]  }
0x1db: {  	v15 =	vld [tilespmem:s20+$0x1940]  }
0x1dc: {  	v16 =	vld [tilespmem:s20+$0x1950]  }
0x1dd: {  	v18 =	vld [tilespmem:s20+$0x3200]  }
0x1de: {  	v19 =	vld [tilespmem:s20+$0x3210]  }
0x1df: {  	v17 =	vld [tilespmem:s20+$0x1960]  }
0x1e0: {  	v14 =	vld [tilespmem:s20+$0x3220];
	v4 =	vmul.u32 $0x32, v4;
	v5 =	vadd.s32 v1, v5  }
0x1e1: {  	v12 =	vld [tilespmem:s20+$0x3230];
	v20 =	vmul.u32 $0x32, v6;
	v13 =	vmul.u32 $0x32, v7;
	v10 =	vmul.u32 $0x32, v8  }
0x1e2: {  	v11 =	vld [tilespmem:s20+$0x3240];
	v7 =	vmul.u32 $0x32, v9;
	v6 =	vmul.u32 $0x32, v15;
	v4 =	vadd.s32 v4, v5  }
0x1e3: {  	v9 =	vadd.s32 v1, v18;
	v8 =	vld [tilespmem:s20+$0x3250];
	v15 =	vadd.s32 v1, v19;
	v4 =	vmin.u32 v4, $0x3200  }
0x1e4: {  	s21 =	simm.s32 $0x80;
	s22 =	simm.s32 $0x400;
	v5 =	vmul.u32 $0x32, v16;
	v16 =	vadd.s32 v20, v9;
	v9 =	vld [tilespmem:s20+$0x3260];
	[tilespmem:s20+$0x4B70] =	vst v4;
	v4 =	vmul.u32 $0x32, v17  }
.LBB2_14:
0x1e5: {  	p0 =	sne.s32 s22, $0x6200;
	v17 =	vld [tilespmem:s21+$0x1970];
	v16 =	vmin.u32 v16, $0x3200;
	v13 =	vadd.s32 v13, v15;
	v14 =	vadd.s32 v1, v14  }
0x1e6: {  	v15 =	vld [tilespmem:s21+$0x3270];
	[tilespmem:s20+$0x4B00] =	vst v16;
	v13 =	vmin.u32 v13, $0x3200;
	v10 =	vadd.s32 v10, v14;
	v12 =	vadd.s32 v1, v12  }
0x1e7: {  	v14 =	vld [tilespmem:s21+$0x1900];
	[tilespmem:s20+$0x4B10] =	vst v13;
	v10 =	vmin.u32 v10, $0x3200;
	v7 =	vadd.s32 v7, v12;
	v11 =	vadd.s32 v1, v11  }
0x1e8: {  	v12 =	vld [tilespmem:s21+$0x1910];
	[tilespmem:s20+$0x4B20] =	vst v10;
	v7 =	vmin.u32 v7, $0x3200;
	v6 =	vadd.s32 v6, v11;
	v8 =	vadd.s32 v1, v8  }
0x1e9: {  	v10 =	vld [tilespmem:s21+$0x1920];
	[tilespmem:s20+$0x4B30] =	vst v7;
	v6 =	vmin.u32 v6, $0x3200;
	v5 =	vadd.s32 v5, v8;
	v7 =	vadd.s32 v1, v9  }
0x1ea: {  	v8 =	vld [tilespmem:s21+$0x1930];
	v9 =	vmul.u32 $0x32, v17;
	[tilespmem:s20+$0x4B40] =	vst v6;
	v5 =	vmin.u32 v5, $0x3200;
	v4 =	vadd.s32 v4, v7  }
0x1eb: {  	v6 =	vld [tilespmem:s21+$0x1940];
	v7 =	vadd.s32 v1, v15;
	[tilespmem:s20+$0x4B50] =	vst v5;
	v4 =	vmin.u32 v4, $0x3200  }
0x1ec: {  	v15 =	vmul.u32 $0x32, v14;
	v5 =	vld [tilespmem:s21+$0x1950];
	v7 =	vadd.s32 v9, v7;
	[tilespmem:s20+$0x4B60] =	vst v4;
	s20 =	smov.u32 s21  }
0x1ed: {  	v13 =	vmul.u32 $0x32, v12;
	v4 =	vld [tilespmem:s20+$0x1960];
	v7 =	vmin.u32 v7, $0x3200  }
0x1ee: {  	v9 =	vld [tilespmem:s20+$0x3200];
	v10 =	vmul.u32 $0x32, v10;
	[tilespmem:s20+$0x4B70] =	vst v7  }
0x1ef: {  	v17 =	vld [tilespmem:s20+$0x3210];
	v7 =	vmul.u32 $0x32, v8  }
.Ltmp6:
0x1f0: {  	v14 =	vld [tilespmem:s20+$0x3220];
	v6 =	vmul.u32 $0x32, v6;
	(pc) =	sbr.rel @p0 .LBB2_14-.Ltmp6, $4  }
0x1f1: {  	v12 =	vld [tilespmem:s20+$0x3230];
	v5 =	vmul.u32 $0x32, v5  }
0x1f2: {  	v11 =	vld [tilespmem:s20+$0x3240];
	v4 =	vmul.u32 $0x32, v4  }
0x1f3: {  	v9 =	vadd.s32 v1, v9;
	v8 =	vld [tilespmem:s20+$0x3250]  }
0x1f4: {  	s21 =	sshra.s32 s22, $0x2;
	s22 =	sadd.s32 $0x200, s22;
	v16 =	vadd.s32 v15, v9;
	v15 =	vadd.s32 v1, v17;
	v9 =	vld [tilespmem:s20+$0x3260]  }
0x1f5: {  	v17 =	vld [tilespmem:s21+$0x1970];
	v16 =	vmin.u32 v16, $0x3200;
	v13 =	vadd.s32 v13, v15;
	v14 =	vadd.s32 v1, v14  }
0x1f6: {  	v18 =	vld [tilespmem:s21+$0x3270];
	[tilespmem:s20+$0x4B00] =	vst v16;
	v13 =	vmin.u32 v13, $0x3200;
	v10 =	vadd.s32 v10, v14;
	v12 =	vadd.s32 v1, v12  }
0x1f7: {  	v44 =	vld [tilespmem:s21+$0x1900];
	[tilespmem:s20+$0x4B10] =	vst v13;
	v10 =	vmin.u32 v10, $0x3200;
	v7 =	vadd.s32 v7, v12;
	v45 =	vadd.s32 v1, v11  }
0x1f8: {  	v13 =	vld [tilespmem:s21+$0x1910];
	[tilespmem:s20+$0x4B20] =	vst v10;
	v7 =	vmin.u32 v7, $0x3200;
	v6 =	vadd.s32 v6, v45;
	v47 =	vadd.s32 v1, v8  }
0x1f9: {  	v46 =	vld [tilespmem:s21+$0x1920];
	[tilespmem:s20+$0x4B30] =	vst v7;
	v6 =	vmin.u32 v6, $0x3200;
	v5 =	vadd.s32 v5, v47;
	v49 =	vadd.s32 v1, v9  }
0x1fa: {  	v48 =	vld [tilespmem:s21+$0x1930];
	[tilespmem:s20+$0x4B40] =	vst v6;
	v5 =	vmin.u32 v5, $0x3200;
	v4 =	vadd.s32 v4, v49  }
0x1fb: {  	v50 =	vld [tilespmem:s21+$0x1940];
	[tilespmem:s20+$0x4B50] =	vst v5;
	v5 =	vmul.u32 $0x32, v17;
	v4 =	vmin.u32 v4, $0x3200  }
0x1fc: {  	v52 =	vadd.s32 v1, v18;
	v51 =	vld [tilespmem:s21+$0x1950];
	[tilespmem:s20+$0x4B60] =	vst v4  }
0x1fd: {  	v4 =	vadd.s32 v5, v52;
	v5 =	vld [tilespmem:s21+$0x1960]  }
0x1fe: {  	v53 =	vld [tilespmem:s21+$0x3200];
	v4 =	vmin.u32 v4, $0x3200  }
0x1ff: {  	[tilespmem:s21+$0x4B70] =	vst v4;
	v4 =	vld [tilespmem:s21+$0x3210]  }
0x200: {  	v54 =	vld [tilespmem:s21+$0x3220]  }
0x201: {  	v55 =	vmul.u32 $0x32, v44;
	v56 =	vld [tilespmem:s21+$0x3230]  }
0x202: {  	v13 =	vmul.u32 $0x32, v13;
	v57 =	vld [tilespmem:s21+$0x3240];
	v11 =	vmul.u32 $0x32, v46;
	v8 =	vmul.u32 $0x32, v48  }
0x203: {  	v16 =	vld [tilespmem:s21+$0x3250];
	v7 =	vmul.u32 $0x32, v50;
	v6 =	vmul.u32 $0x32, v51;
	v9 =	vadd.s32 v1, v53  }
0x204: {  	v58 =	vld [tilespmem:s21+$0x3260];
	v5 =	vmul.u32 $0x32, v5;
	v9 =	vadd.s32 v55, v9;
	v4 =	vadd.s32 v1, v4  }
0x205: {  	v10 =	vadd.s32 v1, v54;
	v9 =	vmin.u32 v9, $0x3200;
	v4 =	vadd.s32 v13, v4  }
0x206: {  	v60 =	vadd.s32 v1, v56;
	v59 =	vadd.s32 v11, v10;
	[tilespmem:s21+$0x4B00] =	vst v9;
	v4 =	vmin.u32 v4, $0x3200  }
0x207: {  	v61 =	vadd.s32 v1, v57;
	v8 =	vadd.s32 v8, v60;
	[tilespmem:s21+$0x4B10] =	vst v4;
	v4 =	vmin.u32 v59, $0x3200  }
0x208: {  	v62 =	vadd.s32 v1, v16;
	v7 =	vadd.s32 v7, v61;
	[tilespmem:s21+$0x4B20] =	vst v4;
	v4 =	vmin.u32 v8, $0x3200  }
0x209: {  	v63 =	vadd.s32 v1, v58;
	v6 =	vadd.s32 v6, v62;
	[tilespmem:s21+$0x4B30] =	vst v4;
	v4 =	vmin.u32 v7, $0x3200  }
0x20a: {  	v5 =	vadd.s32 v5, v63;
	[tilespmem:s21+$0x4B40] =	vst v4;
	v4 =	vmin.u32 v6, $0x3200  }
0x20b: {  	[tilespmem:s21+$0x4B50] =	vst v4;
	v4 =	vmin.u32 v5, $0x3200  }
0x20c: {  	[tilespmem:s21+$0x4B60] =	vst v4  }
0x20d: {  	[tilespmem:$0xA400] =	vst v3  }
0x20e: {  	[tilespmem:$0xA410] =	vst v3  }
0x20f: {  	[tilespmem:$0xA420] =	vst v3  }
0x210: {  	[tilespmem:$0xA430] =	vst v3  }
0x211: {  	[tilespmem:$0xA440] =	vst v3  }
0x212: {  	[tilespmem:$0xA450] =	vst v3  }
0x213: {  	[tilespmem:$0xA460] =	vst v3  }
0x214: {  	[tilespmem:$0xA470] =	vst v3  }
0x215: {  	s22 =	simm.s32 $0x0;
	[bflag:$0x0] =	sbarrier.arrive $0xFFFF  }
0x216: {  	[tilespmem:s31], [sflag:$0x1] =	stream.indirect.gather [hbm4b:s6+s4], $0x40, s22, s4, $0xb8;
	[tilespmem:$0x1AE80] =	vst v63  }
0x217: {  	s23 =	simm.s32 $0x80  }
0x218: {  	[tilespmem:s7], [sflag:$0x2] =	stream.indirect.gather [hbm4b:s6+s4], $0x40, s23, s4, $0xb8;
	[tilespmem:$0x1AE80] =	vst v63  }
0x219: {  	_ =	swait.ge [sflag:s8], $0x2000  }
0x21a: {  	[sflag:s8] =	ssyncset.done $0x0  }
0x21b: {  	s24 =	simm.s32 $0x4B00;
	[sflag:s8] =	ssyncadd.s32 $0xFFFFE000  }
0x21c: {  	[spmem:s2] =	stream.indirect.scatter.add.f32 [tilespmem:s31], [sflag:$0x3], $0x40, s24, s4, $0xb8;
	[tilespmem:$0x1AE80] =	vst v63  }
0x21d: {  	_ =	swait.ge [sflag:s30], $0x2000  }
0x21e: {  	[sflag:s30] =	ssyncset.done $0x0  }
0x21f: {  	[sflag:s30] =	ssyncadd.s32 $0xFFFFE000  }
0x220: {  	[spmem:s3] =	stream.indirect.scatter.add.f32 [tilespmem:s0], [sflag:$0x3], $0x1, s24, s4, $0xb8;
	[tilespmem:$0x1AE80] =	vst v63  }
0x221: {  	_ =	swait.ge [sflag:s30], $0x80  }
0x222: {  	[sflag:s30] =	ssyncset.done $0x0  }
0x223: {  	s25 =	simm.s32 $0x100;
	[sflag:s30] =	ssyncadd.s32 $0xFFFFFF80  }
0x224: {  	[tilespmem:s31], [sflag:$0x1] =	stream.indirect.gather [hbm4b:s6+s4], $0x40, s25, s4, $0xb8;
	[tilespmem:$0x1AE80] =	vst v63  }
0x225: {  	_ =	swait.ge [sflag:s9], $0x2000  }
0x226: {  	[sflag:s9] =	ssyncset.done $0x0  }
0x227: {  	s26 =	simm.s32 $0x4B80;
	[sflag:s9] =	ssyncadd.s32 $0xFFFFE000  }
0x228: {  	[spmem:s2] =	stream.indirect.scatter.add.f32 [tilespmem:s7], [sflag:$0x3], $0x40, s26, s4, $0xb8;
	[tilespmem:$0x1AE80] =	vst v63  }
0x229: {  	_ =	swait.ge [sflag:s30], $0x2000  }
0x22a: {  	[sflag:s30] =	ssyncset.done $0x0  }
0x22b: {  	[sflag:s30] =	ssyncadd.s32 $0xFFFFE000  }
0x22c: {  	[spmem:s3] =	stream.indirect.scatter.add.f32 [tilespmem:s0], [sflag:$0x3], $0x1, s26, s4, $0xb8;
	[tilespmem:$0x1AE80] =	vst v63  }
0x22d: {  	_ =	swait.ge [sflag:s30], $0x80  }
0x22e: {  	s20 =	simm.s32 $0x100;
	s21 =	simm.s32 $0x800;
	[sflag:s30] =	ssyncset.done $0x0  }
.LBB2_16:
0x22f: {  	s22 =	sadd.s32 $0x80, s20  }
0x230: {  	[sflag:s30] =	ssyncadd.s32 $0xFFFFFF80;
	s23 =	smov.u32 s21;
	s24 =	sadd.s32 $0x400, s21  }
0x231: {  	[tilespmem:s7], [sflag:$0x2] =	stream.indirect.gather [hbm4b:s6+s4], $0x40, s22, s4, $0xb8;
	[tilespmem:$0x1AE80] =	vst v63  }
0x232: {  	p0 =	sne.s32 s21, $0x5C00;
	_ =	swait.ge [sflag:s8], $0x2000  }
0x233: {  	[sflag:s8] =	ssyncset.done $0x0  }
0x234: {  	s21 =	sadd.s32 $0x4B00, s20;
	[sflag:s8] =	ssyncadd.s32 $0xFFFFE000  }
0x235: {  	[spmem:s2] =	stream.indirect.scatter.add.f32 [tilespmem:s31], [sflag:$0x3], $0x40, s21, s4, $0xb8;
	[tilespmem:$0x1AE80] =	vst v63  }
0x236: {  	_ =	swait.ge [sflag:s30], $0x2000  }
0x237: {  	[sflag:s30] =	ssyncset.done $0x0  }
0x238: {  	[sflag:s30] =	ssyncadd.s32 $0xFFFFE000  }
0x239: {  	[spmem:s3] =	stream.indirect.scatter.add.f32 [tilespmem:s0], [sflag:$0x3], $0x1, s21, s4, $0xb8;
	[tilespmem:$0x1AE80] =	vst v63  }
0x23a: {  	_ =	swait.ge [sflag:s30], $0x80  }
0x23b: {  	[sflag:s30] =	ssyncset.done $0x0  }
0x23c: {  	s21 =	sadd.s32 $0x100, s20;
	[sflag:s30] =	ssyncadd.s32 $0xFFFFFF80  }
0x23d: {  	[tilespmem:s31], [sflag:$0x1] =	stream.indirect.gather [hbm4b:s6+s4], $0x40, s21, s4, $0xb8;
	[tilespmem:$0x1AE80] =	vst v63  }
0x23e: {  	_ =	swait.ge [sflag:s9], $0x2000  }
0x23f: {  	[sflag:s9] =	ssyncset.done $0x0  }
0x240: {  	s20 =	sadd.s32 $0x4B80, s20;
	[sflag:s9] =	ssyncadd.s32 $0xFFFFE000  }
0x241: {  	[spmem:s2] =	stream.indirect.scatter.add.f32 [tilespmem:s7], [sflag:$0x3], $0x40, s20, s4, $0xb8;
	[tilespmem:$0x1AE80] =	vst v63  }
0x242: {  	_ =	swait.ge [sflag:s30], $0x2000  }
.Ltmp7:
0x243: {  	[sflag:s30] =	ssyncset.done $0x0;
	(pc) =	sbr.rel @p0 .LBB2_16-.Ltmp7, $4  }
0x244: {  	[sflag:s30] =	ssyncadd.s32 $0xFFFFE000  }
0x245: {  	[spmem:s3] =	stream.indirect.scatter.add.f32 [tilespmem:s0], [sflag:$0x3], $0x1, s20, s4, $0xb8;
	[tilespmem:$0x1AE80] =	vst v63  }
0x246: {  	_ =	swait.ge [sflag:s30], $0x80  }
0x247: {  	s21 =	smov.u32 s24;
	s20 =	sshra.s32 s23, $0x2;
	[sflag:s30] =	ssyncset.done $0x0  }
0x248: {  	s21 =	sadd.s32 $0x80, s20;
	[sflag:s30] =	ssyncadd.s32 $0xFFFFFF80  }
0x249: {  	[tilespmem:s7], [sflag:$0x2] =	stream.indirect.gather [hbm4b:s6+s4], $0x40, s21, s4, $0xb8;
	[tilespmem:$0x1AE80] =	vst v63  }
0x24a: {  	_ =	swait.ge [sflag:s8], $0x2000  }
0x24b: {  	[sflag:s8] =	ssyncset.done $0x0  }
0x24c: {  	s24 =	sadd.s32 $0x4B00, s20;
	[sflag:s8] =	ssyncadd.s32 $0xFFFFE000  }
0x24d: {  	[spmem:s2] =	stream.indirect.scatter.add.f32 [tilespmem:s31], [sflag:$0x3], $0x40, s24, s4, $0xb8;
	[tilespmem:$0x1AE80] =	vst v63  }
0x24e: {  	_ =	swait.ge [sflag:s30], $0x2000  }
0x24f: {  	[sflag:s30] =	ssyncset.done $0x0  }
0x250: {  	[sflag:s30] =	ssyncadd.s32 $0xFFFFE000  }
0x251: {  	[spmem:s3] =	stream.indirect.scatter.add.f32 [tilespmem:s0], [sflag:$0x3], $0x1, s24, s4, $0xb8;
	[tilespmem:$0x1AE80] =	vst v63  }
0x252: {  	_ =	swait.ge [sflag:s30], $0x80  }
0x253: {  	[sflag:s30] =	ssyncset.done $0x0  }
0x254: {  	s25 =	sadd.s32 $0x100, s20;
	[sflag:s30] =	ssyncadd.s32 $0xFFFFFF80  }
0x255: {  	[tilespmem:s31], [sflag:$0x1] =	stream.indirect.gather [hbm4b:s6+s4], $0x40, s25, s4, $0xb8;
	[tilespmem:$0x1AE80] =	vst v63  }
0x256: {  	_ =	swait.ge [sflag:s9], $0x2000  }
0x257: {  	[sflag:s9] =	ssyncset.done $0x0  }
0x258: {  	s26 =	sadd.s32 $0x4B80, s20;
	[sflag:s9] =	ssyncadd.s32 $0xFFFFE000  }
0x259: {  	[spmem:s2] =	stream.indirect.scatter.add.f32 [tilespmem:s7], [sflag:$0x3], $0x40, s26, s4, $0xb8;
	[tilespmem:$0x1AE80] =	vst v63  }
0x25a: {  	_ =	swait.ge [sflag:s30], $0x2000  }
0x25b: {  	[sflag:s30] =	ssyncset.done $0x0  }
0x25c: {  	[sflag:s30] =	ssyncadd.s32 $0xFFFFE000  }
0x25d: {  	[spmem:s3] =	stream.indirect.scatter.add.f32 [tilespmem:s0], [sflag:$0x3], $0x1, s26, s4, $0xb8;
	[tilespmem:$0x1AE80] =	vst v63  }
0x25e: {  	_ =	swait.ge [sflag:s30], $0x80  }
0x25f: {  	[sflag:s30] =	ssyncset.done $0x0  }
0x260: {  	[sflag:s30] =	ssyncadd.s32 $0xFFFFFF80  }
0x261: {  	[tilespmem:s7], [sflag:$0x2] =	stream.indirect.gather [hbm4b:s6+s4], $0x40, s10, s4, $0xb8;
	[tilespmem:$0x1AE80] =	vst v63  }
0x262: {  	_ =	swait.ge [sflag:s8], $0x2000  }
0x263: {  	[sflag:s8] =	ssyncset.done $0x0  }
0x264: {  	[sflag:s8] =	ssyncadd.s32 $0xFFFFE000  }
0x265: {  	[spmem:s2] =	stream.indirect.scatter.add.f32 [tilespmem:s31], [sflag:$0x3], $0x40, s13, s4, $0xb8;
	[tilespmem:$0x1AE80] =	vst v63  }
0x266: {  	_ =	swait.ge [sflag:s30], $0x2000  }
0x267: {  	[sflag:s30] =	ssyncset.done $0x0  }
0x268: {  	[sflag:s30] =	ssyncadd.s32 $0xFFFFE000  }
0x269: {  	[spmem:s3] =	stream.indirect.scatter.add.f32 [tilespmem:s0], [sflag:$0x3], $0x1, s13, s4, $0xb8;
	[tilespmem:$0x1AE80] =	vst v63  }
0x26a: {  	_ =	swait.ge [sflag:s30], $0x80  }
0x26b: {  	[sflag:s30] =	ssyncset.done $0x0  }
0x26c: {  	[sflag:s30] =	ssyncadd.s32 $0xFFFFFF80  }
0x26d: {  	[tilespmem:s31], [sflag:$0x1] =	stream.indirect.gather [hbm4b:s6+s4], $0x40, s10, s4, $0xb8;
	[tilespmem:$0x1AE80] =	vst v63  }
0x26e: {  	_ =	swait.ge [sflag:s9], $0x2000  }
0x26f: {  	[sflag:s9] =	ssyncset.done $0x0  }
0x270: {  	[sflag:s9] =	ssyncadd.s32 $0xFFFFE000  }
0x271: {  	[spmem:s2] =	stream.indirect.scatter.add.f32 [tilespmem:s7], [sflag:$0x3], $0x40, s14, s4, $0xb8;
	[tilespmem:$0x1AE80] =	vst v63  }
0x272: {  	_ =	swait.ge [sflag:s30], $0x2000  }
0x273: {  	[sflag:s30] =	ssyncset.done $0x0  }
0x274: {  	[sflag:s30] =	ssyncadd.s32 $0xFFFFE000  }
0x275: {  	[spmem:s3] =	stream.indirect.scatter.add.f32 [tilespmem:s0], [sflag:$0x3], $0x1, s14, s4, $0xb8;
	[tilespmem:$0x1AE80] =	vst v63  }
0x276: {  	_ =	swait.ge [sflag:s30], $0x80  }
0x277: {  	[sflag:s30] =	ssyncset.done $0x0  }
0x278: {  	[sflag:s30] =	ssyncadd.s32 $0xFFFFFF80  }
0x279: {  	_ =	swait.ge [sflag:s8], $0x2000  }
0x27a: {  	[sflag:s8] =	ssyncset.done $0x0  }
0x27b: {  	[sflag:s8] =	ssyncadd.s32 $0xFFFFE000  }
0x27c: {  	s20 =	simm.s32 $0x0;
	s21 =	simm.s32 $0x0;
	[bflag:$0x0] =	sbarrier.arrive $0xFFFF  }
.LBB2_18:
0x27d: {  	s22 =	sadd.s32 s29, s21  }
0x27e: {  	s23 =	smul.u32 $0x3200, s22;
	_ =	sdelay $0x1  }
0x27f: {  	s23 =	sshra.s32 s23, $0x2  }
0x280: {  	s24 =	smul.u32 $0x32, s22;
	s23 =	sadd.s32 s23, s2  }
0x281: {  	[tilespmem:s15], [sflag:$0x3] =	stream.linear.gather [spmem:s23], $0xC80, $0x38;
	[tilespmem:$0x1AE80] =	vst v63  }
0x282: {  	_ =	swait.ge [sflag:s30], $0xC80  }
0x283: {  	s25 =	sand.u32 $0x3FF8, s24;
	[sflag:s30] =	ssyncset.done $0x0  }
0x284: {  	s23 =	sadd.s32 s25, s3;
	[sflag:s30] =	ssyncadd.s32 $0xFFFFF380  }
0x285: {  	[tilespmem:s16], [sflag:$0x3] =	stream.linear.gather [spmem:s23], $0x80, $0x38;
	[tilespmem:$0x1AE80] =	vst v63  }
0x286: {  	_ =	swait.ge [sflag:s30], $0x80  }
0x287: {  	[sflag:s30] =	ssyncset.done $0x0  }
0x288: {  	[sflag:s30] =	ssyncadd.s32 $0xFFFFFF80  }
0x289: {  	v4 =	vld [tilespmem:$0xCA00]  }
0x28a: {  	v5 =	vld [tilespmem:$0xCA10]  }
0x28b: {  	v6 =	vld [tilespmem:$0xCA20]  }
0x28c: {  	v7 =	vld [tilespmem:$0xCA30]  }
0x28d: {  	v8 =	vld [tilespmem:$0xCA40]  }
0x28e: {  	v9 =	vld [tilespmem:$0xCA50];
	(erf) = vrcp.f32 v4  }
0x28f: {  	v10 =	vld [tilespmem:$0xCA60];
	(erf) = vrcp.f32 v5  }
0x290: {  	v11 =	vld [tilespmem:$0xCA70];
	(erf) = vrcp.f32 v6  }
0x291: {  	(erf) = vrcp.f32 v7  }
0x292: {  	(erf) = vrcp.f32 v8  }
0x293: {  	(erf) = vrcp.f32 v9  }
0x294: {  	(erf) = vrcp.f32 v10  }
0x295: {  	(erf) = vrcp.f32 v11;
	_ =	sdelay $0x1  }
0x296: {  	vm0 =	vgt.f32 v4, $0.0e+00;
	v12 =	vpop (erf)  }
0x297: {  	vm9 =	vgt.f32 v5, $0.0e+00;
	v4 =	vpop (erf);
	v12 =	vnsel vm0, $0x0, v12  }
0x298: {  	vm10 =	vgt.f32 v6, $0.0e+00;
	v5 =	vpop (erf);
	[tilespmem:$0xCA80] =	vst v12;
	v4 =	vnsel vm9, $0x0, v4  }
0x299: {  	vm11 =	vgt.f32 v7, $0.0e+00;
	v6 =	vpop (erf);
	[tilespmem:$0xCA90] =	vst v4;
	v4 =	vnsel vm10, $0x0, v5  }
0x29a: {  	vm12 =	vgt.f32 v8, $0.0e+00;
	v5 =	vpop (erf);
	[tilespmem:$0xCAA0] =	vst v4;
	v4 =	vnsel vm11, $0x0, v6  }
0x29b: {  	s26 =	sand.u32 $0x3, s20;
	vm13 =	vgt.f32 v9, $0.0e+00;
	v6 =	vpop (erf);
	[tilespmem:$0xCAB0] =	vst v4;
	v4 =	vnsel vm12, $0x0, v5  }
0x29c: {  	s23 =	sshll.u32 s26, $0x1;
	vm14 =	vgt.f32 v10, $0.0e+00;
	v5 =	vpop (erf);
	[tilespmem:$0xCAC0] =	vst v4;
	v4 =	vnsel vm13, $0x0, v6  }
0x29d: {  	vm15 =	vgt.f32 v11, $0.0e+00;
	v6 =	vmov s23;
	[tilespmem:$0xCAD0] =	vst v4;
	v4 =	vnsel vm14, $0x0, v5;
	v5 =	vpop (erf)  }
0x29e: {  	[tilespmem:$0xCAE0] =	vst v4;
	v4 =	vnsel vm15, $0x0, v5  }
0x29f: {  	s26 =	simm.s32 $0x0;
	[tilespmem:$0xCAF0] =	vst v4  }
0x2a0: {  	v4 =	vld [tilespmem:s26+$0xA480]  }
0x2a1: {  	v5 =	vld [tilespmem:s26+$0xB100]  }
0x2a2: {  	v6 =	vld.idx.msk [tilespmem:v6+s17+$0x0], $0xffff;
	_ =	sdelay $0x4  }
0x2a3: {  	v5 =	vmul.f32 v5, v6;
	_ =	sdelay $0x1  }
0x2a4: {  	[tilespmem:v4+s18+$0x0] =	vst.idx.msk $0xffff, v5  }
0x2a5: {  	v4 =	vld [tilespmem:s26+$0xA490]  }
0x2a6: {  	v5 =	vld [tilespmem:s26+$0xB110];
	_ =	sdelay $0x4  }
0x2a7: {  	v5 =	vmul.f32 v5, v6;
	_ =	sdelay $0x1  }
0x2a8: {  	[tilespmem:v4+s18+$0x0] =	vst.idx.msk $0xffff, v5  }
0x2a9: {  	v4 =	vld [tilespmem:s26+$0xA4A0]  }
0x2aa: {  	v5 =	vld [tilespmem:s26+$0xB120];
	_ =	sdelay $0x4  }
0x2ab: {  	v5 =	vmul.f32 v5, v6;
	_ =	sdelay $0x1  }
0x2ac: {  	[tilespmem:v4+s18+$0x0] =	vst.idx.msk $0xffff, v5  }
0x2ad: {  	v4 =	vld [tilespmem:s26+$0xA4B0]  }
0x2ae: {  	v7 =	vld [tilespmem:s26+$0xB130];
	_ =	sdelay $0x2  }
0x2af: {  	s24 =	sadd.s32 $0x1, s23  }
0x2b0: {  	v5 =	vmov s24  }
0x2b1: {  	s25 =	simm.s32 $0x200;
	s23 =	simm.s32 $0x40;
	v6 =	vmul.f32 v7, v6  }
.LBB2_19:
0x2b2: {  	_ = 	snop  }
0x2b3: {  	s26 =	sshra.s32 s25, $0x2;
	p0 =	sne.s32 s25, $0x3100;
	s25 =	sadd.s32 $0x100, s25;
	[tilespmem:v4+s18+$0x0] =	vst.idx.msk $0xffff, v6  }
0x2b4: {  	v4 =	vld [tilespmem:s23+$0xA480]  }
0x2b5: {  	v6 =	vld.idx.msk [tilespmem:v5+s17+$0x0], $0xffff  }
0x2b6: {  	v5 =	vld [tilespmem:s23+$0xB100];
	_ =	sdelay $0x4  }
0x2b7: {  	v5 =	vmul.f32 v5, v6;
	_ =	sdelay $0x1  }
0x2b8: {  	[tilespmem:v4+s18+$0x0] =	vst.idx.msk $0xffff, v5  }
0x2b9: {  	v4 =	vld [tilespmem:s23+$0xA490]  }
0x2ba: {  	v5 =	vld [tilespmem:s23+$0xB110];
	_ =	sdelay $0x4  }
0x2bb: {  	v5 =	vmul.f32 v5, v6;
	_ =	sdelay $0x1  }
0x2bc: {  	[tilespmem:v4+s18+$0x0] =	vst.idx.msk $0xffff, v5  }
0x2bd: {  	v4 =	vld [tilespmem:s23+$0xA4A0]  }
0x2be: {  	v5 =	vld [tilespmem:s23+$0xB120];
	_ =	sdelay $0x4  }
0x2bf: {  	v5 =	vmul.f32 v5, v6;
	_ =	sdelay $0x1  }
0x2c0: {  	[tilespmem:v4+s18+$0x0] =	vst.idx.msk $0xffff, v5  }
0x2c1: {  	v4 =	vld [tilespmem:s23+$0xA4B0]  }
0x2c2: {  	v7 =	vld [tilespmem:s23+$0xB130];
	s23 =	smov.u32 s26  }
.Ltmp8:
0x2c3: {  	(pc) =	sbr.rel @p0 .LBB2_19-.Ltmp8, $4  }
0x2c4: {  	_ = 	snop  }
0x2c5: {  	s24 =	sadd.s32 $0x1, s24  }
0x2c6: {  	v5 =	vmov s24  }
0x2c7: {  	v6 =	vmul.f32 v7, v6  }
0x2c8: {  	_ =	sdelay $0x3  }
0x2c9: {  	[tilespmem:v4+s18+$0x0] =	vst.idx.msk $0xffff, v6  }
0x2ca: {  	v4 =	vld [tilespmem:s23+$0xA480]  }
0x2cb: {  	v5 =	vld.idx.msk [tilespmem:v5+s17+$0x0], $0xffff  }
0x2cc: {  	v6 =	vld [tilespmem:s23+$0xB100];
	_ =	sdelay $0x4  }
0x2cd: {  	v6 =	vmul.f32 v6, v5;
	_ =	sdelay $0x1  }
0x2ce: {  	[tilespmem:v4+s18+$0x0] =	vst.idx.msk $0xffff, v6  }
0x2cf: {  	v4 =	vld [tilespmem:s23+$0xA490]  }
0x2d0: {  	v6 =	vld [tilespmem:s23+$0xB110];
	_ =	sdelay $0x4  }
0x2d1: {  	v6 =	vmul.f32 v6, v5;
	_ =	sdelay $0x1  }
0x2d2: {  	[tilespmem:v4+s18+$0x0] =	vst.idx.msk $0xffff, v6  }
0x2d3: {  	v4 =	vld [tilespmem:s23+$0xA4A0]  }
0x2d4: {  	v6 =	vld [tilespmem:s23+$0xB120];
	_ =	sdelay $0x4  }
0x2d5: {  	v6 =	vmul.f32 v6, v5;
	_ =	sdelay $0x1  }
0x2d6: {  	[tilespmem:v4+s18+$0x0] =	vst.idx.msk $0xffff, v6  }
0x2d7: {  	v4 =	vld [tilespmem:s23+$0xA4B0]  }
0x2d8: {  	v6 =	vld [tilespmem:s23+$0xB130];
	_ =	sdelay $0x3  }
0x2d9: {  	s22 =	sadd.s32 s12, s22  }
0x2da: {  	s21 =	sadd.s32 $0x1, s21;
	s22 =	smul.u32 $0x190, s22;
	v5 =	vmul.f32 v6, v5  }
0x2db: {  	p0 =	sne.s32 s21, $0x10  }
.Ltmp9:
0x2dc: {  	s22 =	sadd.s32 s1, s22;
	[tilespmem:v4+s18+$0x0] =	vst.idx.msk $0xffff, v5;
	(pc) =	sbr.rel @p0 .LBB2_18-.Ltmp9, $4  }
0x2dd: {  	[hbm4b:s22+s5] =	stream.linear.scatter [tilespmem:s18], [sflag:$0x3], $0xC80, $0x38;
	[tilespmem:$0x1AE80] =	vst v63  }
0x2de: {  	_ =	swait.ge [sflag:s30], $0xC80  }
0x2df: {  	[sflag:s30] =	ssyncset.done $0x0  }
0x2e0: {  	s20 =	sadd.s32 $0x1, s20;
	[sflag:s30] =	ssyncadd.s32 $0xFFFFF380  }
0x2e1: {  	s19 =	sadd.s32 $0x1, s19;
	s20 =	rddreg [dreg:$0xc]  }
0x2e2: {  	p0 =	sne.s32 s19, s20  }
.Ltmp10:
0x2e3: {  	_ = 	snop;
	(pc) =	sbr.rel @p0 .LBB2_1-.Ltmp10, $1  }
0x2e4: {  	_ =	sdelay $0x3  }
0x2e5: {  	_ =	sfence.sel $0x180000  }
0x2e6: {  	[bflag:$0x0] =	sbarrier.arrive $0xFFFF  }
0x2e7: {  	_ =	strace $0x90000047  }
0x2e8: {  	s0 =	stileid.u32;
	[bflag:$0x2] =	sbarrier.arrive $0xFFFF  }
0x2e9: {  	p0 =	sne.s32 s0, $0x0;
	s0 =	rddreg [dreg:$0x7]  }
0x2ea: {  	s0 =	sadd.s32 @!p0 $0x100000, s0  }
0x2eb: {  	[sflag:s0] =	ssyncadd.tile.s32 @!p0 $0x1;
	_ =	shalt  }
.Lfunc_end2:
_tile_overlayer_lowered:
.L_overlay_start_2:
0x2ec: {  	(tag) =	ssettag $0x2  }
0x2ed: {  	s0 =	rddreg [dreg:$0x0];
	s2 =	stileid.u32  }
0x2ee: {  	s1 =	rddreg [dreg:$0x1];
	p0 =	sne.s32 s2, $0x0  }
0x2ef: {  	s3 =	rddreg [dreg:$0x2];
	[bflag:$0x3] =	sbarrier.arrive $0xFFFF;
	s2 =	simm.s32 @!p0 $0x1C03  }
0x2f0: {  	[timem:s3], [sflag:s2] =	dma.local @!p0 [hbm:s0], s1  }
0x2f1: {  	s0 =	simm.s32 @!p0 $0x3  }
0x2f2: {  	_ =	swait.ge @!p0 [sflag:s0], s1  }
0x2f3: {  	s1 =	ssub.s32 @!p0 $0x0, s1;
	[sflag:s0] =	ssyncset.done @!p0 $0x0  }
0x2f4: {  	[sflag:s0] =	ssyncadd.s32 @!p0 s1  }
0x2f5: {  	[bflag:$0x3] =	sbarrier.arrive $0xFFFF  }
0x2f6: {  	_ =	shalt  }

</sc_bundles>
